<compile_context>
chip_gen: v7x
topology: tpu7x:2x2x1
jax: 0.10.2.dev20260603
libtpu: 0.0.44.dev20260713+nightly
codegen_flags: <defaults>
</compile_context>

<pallas_src>
import jax
import jax.numpy as jnp
from jax import lax
from jax.experimental import pallas as pl
from jax.experimental.pallas import tpu as pltpu
from jax.experimental.pallas import tpu_sc as plsc

HIDDEN = 64
WPN = 10
NODES = 3
JPW = 5


def _sc_gather_body(emb_t, emb_tail, xi_t, xw_t, xi_last, xw_last, tree_t,
                    out, tree_v, xi_blk, xw_blk, xi_tb, xw_tb, tail_v, blks,
                    xev, sems):
    wid = lax.axis_index("s") * 2 + lax.axis_index("c")
    l, num_nodes = xi_t.shape
    v = emb_t.shape[1]
    last_al = ((v - 128) // 128) * 128
    tail_start = v - 128
    n_last_al = ((num_nodes - 128) // 128) * 128
    n_tail_start = num_nodes - 128
    lanes = lax.iota(jnp.int32, 16)

    @pl.when(wid < NODES * WPN)
    def _():
        node = wid // WPN
        part = wid % WPN
        pltpu.sync_copy(tree_t, tree_v)
        tv = plsc.load_gather(
            tree_v, [lanes, jnp.full((16,), tree_t.shape[1] - 1, jnp.int32)],
            mask=lanes < tree_t.shape[0])
        rid = jnp.where(node == 0, tv[0], jnp.where(node == 1, tv[1],
                                                    num_nodes - 1))
        r_al = pl.multiple_of(jnp.minimum(rid // 128 * 128, n_last_al), 128)
        in_main_r = rid < n_last_al + 128
        rcm = jnp.full((16,), jnp.minimum(rid - r_al, 127), jnp.int32)
        rct = jnp.full((16,), jnp.clip(rid - n_tail_start, 0, 127), jnp.int32)
        ci = pltpu.async_copy(xi_t.at[:, pl.ds(r_al, 128)], xi_blk, sems[0])
        cw = pltpu.async_copy(xw_t.at[:, pl.ds(r_al, 128)], xw_blk, sems[1])

        @pl.when(jnp.logical_not(in_main_r))
        def _():
            pltpu.sync_copy(xi_last, xi_tb)
            pltpu.sync_copy(xw_last, xw_tb)
        ci.wait()
        cw.wait()
        rows_w = part * JPW + lanes
        wmask = lanes < JPW
        cvec = jnp.where(
            in_main_r,
            plsc.load_gather(xi_blk, [rows_w, rcm], mask=wmask),
            plsc.load_gather(xi_tb, [rows_w, rct], mask=wmask))
        wvec = jnp.where(
            in_main_r,
            plsc.load_gather(xw_blk, [rows_w, rcm], mask=wmask),
            plsc.load_gather(xw_tb, [rows_w, rct], mask=wmask))
        cs = [cvec[q] for q in range(JPW)]
        need_tail = plsc.all_reduce_population_count(
            (cvec >= last_al + 128) & wmask)

        @pl.when(need_tail[0] > 0)
        def _():
            pltpu.sync_copy(emb_tail, tail_v)
        c_als = [pl.multiple_of(jnp.minimum(c // 128 * 128, last_al), 128)
                 for c in cs]
        copies = [pltpu.async_copy(emb_t.at[:, pl.ds(c_als[q], 128)],
                                   blks[q], sems[q]) for q in range(JPW)]
        accs = [jnp.zeros((16,), jnp.float32) for _ in range(HIDDEN // 16)]
        for q in range(JPW):
            copies[q].wait()
            c = cs[q]
            in_main = c < last_al + 128
            cc = jnp.full((16,), jnp.minimum(c - c_als[q], 127), jnp.int32)
            tc = jnp.full((16,), jnp.clip(c - tail_start, 0, 127), jnp.int32)
            w = wvec[q]
            for k in range(HIDDEN // 16):
                rows = lanes + 16 * k
                mvec = plsc.load_gather(blks[q], [rows, cc])
                tvec = plsc.load_gather(tail_v, [rows, tc])
                accs[k] = accs[k] + jnp.where(in_main, mvec, tvec) * w
        for k in range(HIDDEN // 16):
            xev[pl.ds(16 * k, 16)] = accs[k]
        pltpu.sync_copy(xev, out.at[pl.ds(wid * HIDDEN, HIDDEN)])


def _sc_gather(emb_t, emb_tail, xi_t, xw_t, xi_last, xw_last, tree_t):
    mesh = plsc.VectorSubcoreMesh(core_axis_name="c", subcore_axis_name="s")
    l = xi_t.shape[0]
    return pl.kernel(
        _sc_gather_body,
        out_type=jax.ShapeDtypeStruct((NODES * WPN * HIDDEN,), jnp.float32),
        mesh=mesh,
        scratch_types=[
            pltpu.VMEM(tree_t.shape, jnp.int32),
            pltpu.VMEM((l, 128), jnp.int32),
            pltpu.VMEM((l, 128), jnp.float32),
            pltpu.VMEM((l, 128), jnp.int32),
            pltpu.VMEM((l, 128), jnp.float32),
            pltpu.VMEM((HIDDEN, 128), jnp.float32),
            [pltpu.VMEM((HIDDEN, 128), jnp.float32)] * JPW,
            pltpu.VMEM((HIDDEN,), jnp.float32),
            [pltpu.SemaphoreType.DMA] * JPW,
        ],
        compiler_params=pltpu.CompilerParams(use_tc_tiling_on_sc=True,
                                             needs_layout_passes=False),
    )(emb_t, emb_tail, xi_t, xw_t, xi_last, xw_last, tree_t)


def _tc_gru_body(xps_ref, wz, uz, bz, wr, ur, br, wh, uh, bh, out_ref):
    def hsig(x):
        return jnp.clip(0.2 * x + 0.5, 0.0, 1.0)

    def matT(a, b):
        return lax.dot_general(a, b, (((1,), (1,)), ((), ())),
                               preferred_element_type=jnp.float32)

    xps = xps_ref[...]
    rows = []
    for n in range(NODES):
        acc = xps[n * WPN:n * WPN + 1]
        for p in range(1, WPN):
            acc = acc + xps[n * WPN + p:n * WPN + p + 1]
        rows.append(acc)
    xe = jnp.concatenate(rows, axis=0)
    z_all = hsig(matT(xe, wz[...]) + bz[...])
    c_all = jnp.tanh(matT(xe, wh[...]) + bh[...])
    lh = (1.0 - z_all) * c_all
    ht = lh[0:1] + lh[1:2]
    xp = xe[2:3]
    zp = hsig(matT(xp, wz[...]) + matT(ht, uz[...]) + bz[...])
    rp = hsig(matT(xp, wr[...]) + matT(ht, ur[...]) + br[...])
    cp = jnp.tanh(matT(xp, wh[...]) + matT(ht * rp, uh[...]) + bh[...])
    out_ref[...] = zp * ht + (1.0 - zp) * cp


def _tc_gru(xps, W_z, U_z, b_z, W_r, U_r, b_r, W_h, U_h, b_h):
    return pl.pallas_call(
        _tc_gru_body,
        out_shape=jax.ShapeDtypeStruct((1, HIDDEN), jnp.float32),
    )(xps, W_z, U_z, b_z.reshape(1, HIDDEN), W_r, U_r,
      b_r.reshape(1, HIDDEN), W_h, U_h, b_h.reshape(1, HIDDEN))


def kernel(x_word, x_index, tree, embedding, W_z, U_z, b_z, W_r, U_r, b_r,
           W_h, U_h, b_h):
    xi = x_index.astype(jnp.int32)
    tr = tree.astype(jnp.int32)
    xps = _sc_gather(embedding.T, embedding[-128:].T, xi.T, x_word.T,
                     xi[-128:].T, x_word[-128:].T, tr.T)
    h = _tc_gru(xps.reshape(NODES * WPN, HIDDEN), W_z, U_z, b_z, W_r, U_r,
                b_r, W_h, U_h, b_h)
    return h.reshape(HIDDEN)

# --- scband reference (transcript-rebuilt; emitter-appended) ---
"""Pipeline reference for scband-rv-nn-71829033058692 (READ-ONLY COPY).

The authoritative reference and input builder live on the scoring server;
editing this copy changes nothing except your own understanding.
"""

import jax, jax.numpy as jnp
import numpy as np

WORD_DIM = 100000
HIDDEN = 64
DEGREE = 2
IRREGULAR = True
NUM_NODES = 600
NUM_PARENTS = 200
NUM_LEAVES = NUM_NODES - NUM_PARENTS
L = 50


def hard_sigmoid(x):
    # torch: 0.2*x+0.5 then double-threshold == clip to [0, 1]
    return jnp.clip(0.2 * x + 0.5, 0.0, 1.0)


def setup_inputs(seed: int = 0) -> dict:
    key = jax.random.key(seed)
    ks = jax.random.split(key, 16)
    x_word = jax.random.normal(ks[0], (NUM_NODES, L), dtype=jnp.float32)
    x_index = jax.random.randint(ks[1], (NUM_NODES, L), 0, WORD_DIM)
    tree = jax.random.randint(ks[2], (NUM_PARENTS, DEGREE + 1), 0, NUM_LEAVES)
    embedding = 0.1 * jax.random.normal(ks[3], (WORD_DIM, HIDDEN), dtype=jnp.float32)
    W_z = 0.1 * jax.random.normal(ks[4], (HIDDEN, HIDDEN), dtype=jnp.float32)
    U_z = 0.1 * jax.random.normal(ks[5], (HIDDEN, HIDDEN), dtype=jnp.float32)
    b_z = jnp.zeros((HIDDEN,), dtype=jnp.float32)
    W_r = 0.1 * jax.random.normal(ks[6], (HIDDEN, HIDDEN), dtype=jnp.float32)
    U_r = 0.1 * jax.random.normal(ks[7], (HIDDEN, HIDDEN), dtype=jnp.float32)
    b_r = jnp.zeros((HIDDEN,), dtype=jnp.float32)
    W_h = 0.1 * jax.random.normal(ks[8], (HIDDEN, HIDDEN), dtype=jnp.float32)
    U_h = 0.1 * jax.random.normal(ks[9], (HIDDEN, HIDDEN), dtype=jnp.float32)
    b_h = jnp.zeros((HIDDEN,), dtype=jnp.float32)
    return {
        'x_word': x_word, 'x_index': x_index, 'tree': tree,
        'embedding': embedding,
        'W_z': W_z, 'U_z': U_z, 'b_z': b_z,
        'W_r': W_r, 'U_r': U_r, 'b_r': b_r,
        'W_h': W_h, 'U_h': U_h, 'b_h': b_h,
    }


def node_forward(embedding, W_z, U_z, b_z, W_r, U_r, b_r, W_h, U_h, b_h,
                 parent_word, parent_index, child_h):
    h_tilde = jnp.sum(child_h, axis=0)
    parent_embedding = jnp.take(embedding, parent_index, axis=0)  # [L, H]
    parent_xe = parent_embedding.T @ parent_word.astype(jnp.float32)  # [H]
    z = hard_sigmoid(W_z @ parent_xe + U_z @ h_tilde + b_z)
    r = hard_sigmoid(W_r @ parent_xe + U_r @ h_tilde + b_r)
    c = jnp.tanh(W_h @ parent_xe + U_h @ (h_tilde * r) + b_h)
    h = z * h_tilde + (1.0 - z) * c
    return h


def reference(x_word, x_index, tree, embedding, W_z, U_z, b_z, W_r, U_r, b_r, W_h, U_h, b_h):
    num_nodes = x_word.shape[0]
    num_parents = tree.shape[0]
    num_leaves = num_nodes - num_parents
    dummy = jnp.zeros((DEGREE, HIDDEN), dtype=jnp.float32)

    def leaf_fn(w, idx):
        return node_forward(embedding, W_z, U_z, b_z, W_r, U_r, b_r, W_h, U_h, b_h,
                            w, idx, dummy)

    leaf_h = jax.vmap(leaf_fn)(x_word[:num_leaves], x_index[:num_leaves])  # [num_leaves, H]
    if IRREGULAR:
        node_h = jnp.concatenate([leaf_h, leaf_h, leaf_h], axis=0)
    else:
        node_h = leaf_h

    parent_h = None
    for t in range(num_parents):
        node_info = tree[t]
        child_idx = node_info[:-1]
        child_exists = (child_idx > -1).astype(jnp.int32)
        offset = jnp.ones_like(child_exists) * 2 * num_leaves * int(IRREGULAR) - child_exists * t
        index = child_idx + offset
        child_h = node_h[index] * child_exists[:, None].astype(jnp.float32)
        ph = node_forward(embedding, W_z, U_z, b_z, W_r, U_r, b_r, W_h, U_h, b_h,
                          x_word[num_leaves + t], x_index[num_leaves + t], child_h)
        node_h = jnp.concatenate([node_h, ph[None, :]], axis=0)[1:]
        parent_h = ph
    return parent_h  # squeeze(parent_h[-1:]) == last parent hidden state, shape [HIDDEN]

if __name__ == "__main__":
    import jax
    _d = setup_inputs()
    print(jax.jit(kernel)(*tuple(_d.values())))

</pallas_src>

<mosaic_0001>
#map = affine_map<(d0, d1) -> (0, 0)>
#map1 = affine_map<(d0, d1) -> (0)>
module attributes {stable_mosaic.version = 14 : i64} {
  func.func @_sc_gather_body(%arg0: i32, %arg1: i32, %arg2: memref<64x100000xf32, #tpu.memory_space<hbm>>, %arg3: memref<64x128xf32, #tpu.memory_space<hbm>>, %arg4: memref<50x600xi32, #tpu.memory_space<hbm>>, %arg5: memref<50x600xf32, #tpu.memory_space<hbm>>, %arg6: memref<50x128xi32, #tpu.memory_space<hbm>>, %arg7: memref<50x128xf32, #tpu.memory_space<hbm>>, %arg8: memref<3x200xi32, #tpu.memory_space<hbm>>, %arg9: memref<1920xf32, #tpu.memory_space<hbm>>, %arg10: memref<3x200xi32, #tpu.memory_space<vmem>>, %arg11: memref<50x128xi32, #tpu.memory_space<vmem>>, %arg12: memref<50x128xf32, #tpu.memory_space<vmem>>, %arg13: memref<50x128xi32, #tpu.memory_space<vmem>>, %arg14: memref<50x128xf32, #tpu.memory_space<vmem>>, %arg15: memref<64x128xf32, #tpu.memory_space<vmem>>, %arg16: memref<64x128xf32, #tpu.memory_space<vmem>>, %arg17: memref<64x128xf32, #tpu.memory_space<vmem>>, %arg18: memref<64x128xf32, #tpu.memory_space<vmem>>, %arg19: memref<64x128xf32, #tpu.memory_space<vmem>>, %arg20: memref<64x128xf32, #tpu.memory_space<vmem>>, %arg21: memref<64xf32, #tpu.memory_space<vmem>>, %arg22: memref<!tpu.dma_semaphore, #tpu.memory_space<semaphore_mem>>, %arg23: memref<!tpu.dma_semaphore, #tpu.memory_space<semaphore_mem>>, %arg24: memref<!tpu.dma_semaphore, #tpu.memory_space<semaphore_mem>>, %arg25: memref<!tpu.dma_semaphore, #tpu.memory_space<semaphore_mem>>, %arg26: memref<!tpu.dma_semaphore, #tpu.memory_space<semaphore_mem>>) attributes {dimension_semantics = [#tpu.dimension_semantics<core_parallel>, #tpu.dimension_semantics<subcore_parallel>], iteration_bounds = array<i64: 2, 16>, scalar_prefetch = 0 : i64, scratch_operands = 17 : i64, tpu.core_type = #tpu.core_type<sc_vector_subcore>, window_params = [{transform_indices = #map}, {transform_indices = #map}, {transform_indices = #map}, {transform_indices = #map}, {transform_indices = #map}, {transform_indices = #map}, {transform_indices = #map}, {transform_indices = #map1}]} {
    %mul3A = arith.constant 2 : i32
    %mul3A_0 = arith.muli %arg1, %mul3A : i32
    %add3A = arith.addi %mul3A_0, %arg0 : i32
    %iota3A = tpu.iota {dimensions = array<i32: 0>} : vector<16xi32>
    %lt3A = arith.constant 30 : i32
    %lt3A_1 = arith.cmpi slt, %add3A, %lt3A : i32
    %convert_element_type3A = arith.extui %lt3A_1 : i1 to i32
    %cond3A = arith.constant 0 : i32
    %cond3A_2 = arith.cmpi ne, %convert_element_type3A, %cond3A : i32
    scf.if %cond3A_2 {
      %jit3A = arith.constant 10 : i32
      %div3A = arith.divsi %add3A, %jit3A : i32
      %sign3A = arith.constant 0 : i32
      %sign3A_3 = arith.cmpi sgt, %add3A, %sign3A : i32
      %sign3A_4 = arith.extui %sign3A_3 : i1 to i32
      %sign3A_5 = arith.constant 0 : i32
      %sign3A_6 = arith.cmpi slt, %add3A, %sign3A_5 : i32
      %sign3A_7 = arith.extui %sign3A_6 : i1 to i32
      %sign3A_8 = arith.subi %sign3A_4, %sign3A_7 : i32
      %sign3A_9 = arith.constant 0 : i32
      %sign3A_10 = arith.cmpi sgt, %jit3A, %sign3A_9 : i32
      %sign3A_11 = arith.extui %sign3A_10 : i1 to i32
      %sign3A_12 = arith.constant 0 : i32
      %sign3A_13 = arith.cmpi slt, %jit3A, %sign3A_12 : i32
      %sign3A_14 = arith.extui %sign3A_13 : i1 to i32
      %sign3A_15 = arith.subi %sign3A_11, %sign3A_14 : i32
      %ne3A = arith.cmpi ne, %sign3A_8, %sign3A_15 : i32
      %rem3A = arith.remsi %add3A, %jit3A : i32
      %ne3A_16 = arith.constant 0 : i32
      %ne3A_17 = arith.cmpi ne, %rem3A, %ne3A_16 : i32
      %and3A = arith.andi %ne3A, %ne3A_17 : i1
      %sub3A = arith.constant 1 : i32
      %sub3A_18 = arith.subi %div3A, %sub3A : i32
      %select_n3A = arith.select %and3A, %sub3A_18, %div3A : i32
      %jit3A_19 = arith.constant 10 : i32
      %eq3A = arith.constant 0 : i32
      %eq3A_20 = arith.cmpi eq, %jit3A_19, %eq3A : i32
      %jit3A_21 = arith.constant 1 : i32
      %select_n3A_22 = arith.select %eq3A_20, %jit3A_21, %jit3A_19 : i32
      %rem3A_23 = arith.remsi %add3A, %select_n3A_22 : i32
      %ne3A_24 = arith.constant 0 : i32
      %ne3A_25 = arith.cmpi ne, %rem3A_23, %ne3A_24 : i32
      %lt3A_26 = arith.constant 0 : i32
      %lt3A_27 = arith.cmpi slt, %rem3A_23, %lt3A_26 : i32
      %lt3A_28 = arith.constant 0 : i32
      %lt3A_29 = arith.cmpi slt, %select_n3A_22, %lt3A_28 : i32
      %ne3A_30 = arith.xori %lt3A_27, %lt3A_29 : i1
      %and3A_31 = arith.andi %ne3A_30, %ne3A_25 : i1
      %add3A_32 = arith.addi %rem3A_23, %select_n3A_22 : i32
      %select_n3A_33 = arith.select %and3A_31, %add3A_32, %rem3A_23 : i32
      "tpu.region"() ({
        %run_scoped3A = tpu.sem_alloc : memref<!tpu.dma_semaphore, #tpu.memory_space<semaphore_mem>>
        tpu.enqueue_dma source(%arg8 : memref<3x200xi32, #tpu.memory_space<hbm>>) target(%arg10 : memref<3x200xi32, #tpu.memory_space<vmem>>) target_semaphore(%run_scoped3A : memref<!tpu.dma_semaphore, #tpu.memory_space<semaphore_mem>>)
        tpu.wait_dma2 semaphore(%run_scoped3A : memref<!tpu.dma_semaphore, #tpu.memory_space<semaphore_mem>>) src(%arg8 : memref<3x200xi32, #tpu.memory_space<hbm>>) dst(%arg10 : memref<3x200xi32, #tpu.memory_space<vmem>>)
        tpu.yield
      }) : () -> ()
      %broadcast_in_dim3A = arith.constant 199 : i32
      %broadcast_in_dim3A_34 = vector.broadcast %broadcast_in_dim3A : i32 to vector<16xi32>
      %lt3A_35 = arith.constant 3 : i32
      %lt3A_36 = vector.broadcast %lt3A_35 : i32 to vector<16xi32>
      %lt3A_37 = arith.cmpi slt, %iota3A, %lt3A_36 : vector<16xi32>
      %gather3A = tpu.vector_load_idx %arg10[%iota3A, %broadcast_in_dim3A_34] masked %lt3A_37 : memref<3x200xi32, #tpu.memory_space<vmem>>[vector<16xi32>, vector<16xi32>], vector<16xi32>, vector<16xi1>
      %eq3A_38 = arith.constant 0 : i32
      %eq3A_39 = arith.cmpi eq, %select_n3A, %eq3A_38 : i32
      %slice3A = vector.extract_strided_slice %gather3A {offsets = [0], sizes = [1], strides = [1]} : vector<16xi32> to vector<1xi32>
      %squeeze3A = vector.extract %slice3A[0] : i32 from vector<1xi32>
      %eq3A_40 = arith.constant 1 : i32
      %eq3A_41 = arith.cmpi eq, %select_n3A, %eq3A_40 : i32
      %slice3A_42 = vector.extract_strided_slice %gather3A {offsets = [1], sizes = [1], strides = [1]} : vector<16xi32> to vector<1xi32>
      %squeeze3A_43 = vector.extract %slice3A_42[0] : i32 from vector<1xi32>
      %jit3A_44 = arith.constant 599 : i32
      %select_n3A_45 = arith.select %eq3A_41, %squeeze3A_43, %jit3A_44 : i32
      %select_n3A_46 = arith.select %eq3A_39, %squeeze3A, %select_n3A_45 : i32
      %jit3A_47 = arith.constant 128 : i32
      %div3A_48 = arith.divsi %select_n3A_46, %jit3A_47 : i32
      %sign3A_49 = arith.constant 0 : i32
      %sign3A_50 = arith.cmpi sgt, %select_n3A_46, %sign3A_49 : i32
      %sign3A_51 = arith.extui %sign3A_50 : i1 to i32
      %sign3A_52 = arith.constant 0 : i32
      %sign3A_53 = arith.cmpi slt, %select_n3A_46, %sign3A_52 : i32
      %sign3A_54 = arith.extui %sign3A_53 : i1 to i32
      %sign3A_55 = arith.subi %sign3A_51, %sign3A_54 : i32
      %sign3A_56 = arith.constant 0 : i32
      %sign3A_57 = arith.cmpi sgt, %jit3A_47, %sign3A_56 : i32
      %sign3A_58 = arith.extui %sign3A_57 : i1 to i32
      %sign3A_59 = arith.constant 0 : i32
      %sign3A_60 = arith.cmpi slt, %jit3A_47, %sign3A_59 : i32
      %sign3A_61 = arith.extui %sign3A_60 : i1 to i32
      %sign3A_62 = arith.subi %sign3A_58, %sign3A_61 : i32
      %ne3A_63 = arith.cmpi ne, %sign3A_55, %sign3A_62 : i32
      %rem3A_64 = arith.remsi %select_n3A_46, %jit3A_47 : i32
      %ne3A_65 = arith.constant 0 : i32
      %ne3A_66 = arith.cmpi ne, %rem3A_64, %ne3A_65 : i32
      %and3A_67 = arith.andi %ne3A_63, %ne3A_66 : i1
      %sub3A_68 = arith.constant 1 : i32
      %sub3A_69 = arith.subi %div3A_48, %sub3A_68 : i32
      %select_n3A_70 = arith.select %and3A_67, %sub3A_69, %div3A_48 : i32
      %mul3A_71 = arith.constant 128 : i32
      %mul3A_72 = arith.muli %select_n3A_70, %mul3A_71 : i32
      %min3A = arith.constant 384 : i32
      %min3A_73 = arith.minsi %mul3A_72, %min3A : i32
      %multiple_of3A = tpu.assume_multiple %min3A_73, 128 : i32
      %lt3A_74 = arith.constant 512 : i32
      %lt3A_75 = arith.cmpi slt, %select_n3A_46, %lt3A_74 : i32
      %sub3A_76 = arith.subi %select_n3A_46, %multiple_of3A : i32
      %min3A_77 = arith.constant 127 : i32
      %min3A_78 = arith.minsi %sub3A_76, %min3A_77 : i32
      %broadcast_in_dim3A_79 = vector.broadcast %min3A_78 : i32 to vector<16xi32>
      %sub3A_80 = arith.constant 472 : i32
      %sub3A_81 = arith.subi %select_n3A_46, %sub3A_80 : i32
      %jit3A_82 = arith.constant 0 : i32
      %jit3A_83 = arith.constant 127 : i32
      %max3A = arith.maxsi %jit3A_82, %sub3A_81 : i32
      %min3A_84 = arith.minsi %jit3A_83, %max3A : i32
      %broadcast_in_dim3A_85 = vector.broadcast %min3A_84 : i32 to vector<16xi32>
      %dma_start3A = arith.constant 0 : i32
      %dma_start3A_86 = tpu.memref_slice %arg4[%dma_start3A, %multiple_of3A] : memref<50x600xi32, #tpu.memory_space<hbm>> -> memref<50x128xi32, #tpu.memory_space<hbm>>
      %dma_start3A_87 = arith.constant 0 : i32
      %dma_start3A_88 = tpu.memref_slice %arg4[%dma_start3A_87, %multiple_of3A] : memref<50x600xi32, #tpu.memory_space<hbm>> -> memref<50x128xi32, #tpu.memory_space<hbm>>
      tpu.enqueue_dma source(%dma_start3A_88 : memref<50x128xi32, #tpu.memory_space<hbm>>) target(%arg11 : memref<50x128xi32, #tpu.memory_space<vmem>>) target_semaphore(%arg22 : memref<!tpu.dma_semaphore, #tpu.memory_space<semaphore_mem>>)
      %dma_start3A_89 = arith.constant 0 : i32
      %dma_start3A_90 = tpu.memref_slice %arg5[%dma_start3A_89, %multiple_of3A] : memref<50x600xf32, #tpu.memory_space<hbm>> -> memref<50x128xf32, #tpu.memory_space<hbm>>
      %dma_start3A_91 = arith.constant 0 : i32
      %dma_start3A_92 = tpu.memref_slice %arg5[%dma_start3A_91, %multiple_of3A] : memref<50x600xf32, #tpu.memory_space<hbm>> -> memref<50x128xf32, #tpu.memory_space<hbm>>
      tpu.enqueue_dma source(%dma_start3A_92 : memref<50x128xf32, #tpu.memory_space<hbm>>) target(%arg12 : memref<50x128xf32, #tpu.memory_space<vmem>>) target_semaphore(%arg23 : memref<!tpu.dma_semaphore, #tpu.memory_space<semaphore_mem>>)
      %not3A = arith.constant true
      %not3A_93 = arith.xori %lt3A_75, %not3A : i1
      %convert_element_type3A_94 = arith.extui %not3A_93 : i1 to i32
      %cond3A_95 = arith.constant 0 : i32
      %cond3A_96 = arith.cmpi ne, %convert_element_type3A_94, %cond3A_95 : i32
      scf.if %cond3A_96 {
        "tpu.region"() ({
          %run_scoped3A = tpu.sem_alloc : memref<!tpu.dma_semaphore, #tpu.memory_space<semaphore_mem>>
          tpu.enqueue_dma source(%arg6 : memref<50x128xi32, #tpu.memory_space<hbm>>) target(%arg13 : memref<50x128xi32, #tpu.memory_space<vmem>>) target_semaphore(%run_scoped3A : memref<!tpu.dma_semaphore, #tpu.memory_space<semaphore_mem>>)
          tpu.wait_dma2 semaphore(%run_scoped3A : memref<!tpu.dma_semaphore, #tpu.memory_space<semaphore_mem>>) src(%arg6 : memref<50x128xi32, #tpu.memory_space<hbm>>) dst(%arg13 : memref<50x128xi32, #tpu.memory_space<vmem>>)
          tpu.yield
        }) : () -> ()
        "tpu.region"() ({
          %run_scoped3A = tpu.sem_alloc : memref<!tpu.dma_semaphore, #tpu.memory_space<semaphore_mem>>
          tpu.enqueue_dma source(%arg7 : memref<50x128xf32, #tpu.memory_space<hbm>>) target(%arg14 : memref<50x128xf32, #tpu.memory_space<vmem>>) target_semaphore(%run_scoped3A : memref<!tpu.dma_semaphore, #tpu.memory_space<semaphore_mem>>)
          tpu.wait_dma2 semaphore(%run_scoped3A : memref<!tpu.dma_semaphore, #tpu.memory_space<semaphore_mem>>) src(%arg7 : memref<50x128xf32, #tpu.memory_space<hbm>>) dst(%arg14 : memref<50x128xf32, #tpu.memory_space<vmem>>)
          tpu.yield
        }) : () -> ()
      } else {
      }
      %dma_wait3A = arith.constant 0 : i32
      %dma_wait3A_97 = tpu.memref_slice %arg4[%dma_wait3A, %multiple_of3A] : memref<50x600xi32, #tpu.memory_space<hbm>> -> memref<50x128xi32, #tpu.memory_space<hbm>>
      %dma_wait3A_98 = arith.constant 0 : i32
      %dma_wait3A_99 = tpu.memref_slice %arg4[%dma_wait3A_98, %multiple_of3A] : memref<50x600xi32, #tpu.memory_space<hbm>> -> memref<50x128xi32, #tpu.memory_space<hbm>>
      tpu.wait_dma2 semaphore(%arg22 : memref<!tpu.dma_semaphore, #tpu.memory_space<semaphore_mem>>) src(%dma_wait3A_99 : memref<50x128xi32, #tpu.memory_space<hbm>>) dst(%arg11 : memref<50x128xi32, #tpu.memory_space<vmem>>)
      %dma_wait3A_100 = arith.constant 0 : i32
      %dma_wait3A_101 = tpu.memref_slice %arg5[%dma_wait3A_100, %multiple_of3A] : memref<50x600xf32, #tpu.memory_space<hbm>> -> memref<50x128xf32, #tpu.memory_space<hbm>>
      %dma_wait3A_102 = arith.constant 0 : i32
      %dma_wait3A_103 = tpu.memref_slice %arg5[%dma_wait3A_102, %multiple_of3A] : memref<50x600xf32, #tpu.memory_space<hbm>> -> memref<50x128xf32, #tpu.memory_space<hbm>>
      tpu.wait_dma2 semaphore(%arg23 : memref<!tpu.dma_semaphore, #tpu.memory_space<semaphore_mem>>) src(%dma_wait3A_103 : memref<50x128xf32, #tpu.memory_space<hbm>>) dst(%arg12 : memref<50x128xf32, #tpu.memory_space<vmem>>)
      %mul3A_104 = arith.constant 5 : i32
      %mul3A_105 = arith.muli %select_n3A_33, %mul3A_104 : i32
      %add3A_106 = vector.broadcast %mul3A_105 : i32 to vector<16xi32>
      %add3A_107 = arith.addi %add3A_106, %iota3A : vector<16xi32>
      %lt3A_108 = arith.constant 5 : i32
      %lt3A_109 = vector.broadcast %lt3A_108 : i32 to vector<16xi32>
      %lt3A_110 = arith.cmpi slt, %iota3A, %lt3A_109 : vector<16xi32>
      %gather3A_111 = tpu.vector_load_idx %arg11[%add3A_107, %broadcast_in_dim3A_79] masked %lt3A_110 : memref<50x128xi32, #tpu.memory_space<vmem>>[vector<16xi32>, vector<16xi32>], vector<16xi32>, vector<16xi1>
      %gather3A_112 = tpu.vector_load_idx %arg13[%add3A_107, %broadcast_in_dim3A_85] masked %lt3A_110 : memref<50x128xi32, #tpu.memory_space<vmem>>[vector<16xi32>, vector<16xi32>], vector<16xi32>, vector<16xi1>
      %select_n3A_113 = arith.select %lt3A_75, %gather3A_111, %gather3A_112 : vector<16xi32>
      %gather3A_114 = tpu.vector_load_idx %arg12[%add3A_107, %broadcast_in_dim3A_79] masked %lt3A_110 : memref<50x128xf32, #tpu.memory_space<vmem>>[vector<16xi32>, vector<16xi32>], vector<16xf32>, vector<16xi1>
      %gather3A_115 = tpu.vector_load_idx %arg14[%add3A_107, %broadcast_in_dim3A_85] masked %lt3A_110 : memref<50x128xf32, #tpu.memory_space<vmem>>[vector<16xi32>, vector<16xi32>], vector<16xf32>, vector<16xi1>
      %select_n3A_116 = arith.select %lt3A_75, %gather3A_114, %gather3A_115 : vector<16xf32>
      %slice3A_117 = vector.extract_strided_slice %select_n3A_113 {offsets = [0], sizes = [1], strides = [1]} : vector<16xi32> to vector<1xi32>
      %squeeze3A_118 = vector.extract %slice3A_117[0] : i32 from vector<1xi32>
      %slice3A_119 = vector.extract_strided_slice %select_n3A_113 {offsets = [1], sizes = [1], strides = [1]} : vector<16xi32> to vector<1xi32>
      %squeeze3A_120 = vector.extract %slice3A_119[0] : i32 from vector<1xi32>
      %slice3A_121 = vector.extract_strided_slice %select_n3A_113 {offsets = [2], sizes = [1], strides = [1]} : vector<16xi32> to vector<1xi32>
      %squeeze3A_122 = vector.extract %slice3A_121[0] : i32 from vector<1xi32>
      %slice3A_123 = vector.extract_strided_slice %select_n3A_113 {offsets = [3], sizes = [1], strides = [1]} : vector<16xi32> to vector<1xi32>
      %squeeze3A_124 = vector.extract %slice3A_123[0] : i32 from vector<1xi32>
      %slice3A_125 = vector.extract_strided_slice %select_n3A_113 {offsets = [4], sizes = [1], strides = [1]} : vector<16xi32> to vector<1xi32>
      %squeeze3A_126 = vector.extract %slice3A_125[0] : i32 from vector<1xi32>
      %ge3A = arith.constant 99968 : i32
      %ge3A_127 = vector.broadcast %ge3A : i32 to vector<16xi32>
      %ge3A_128 = arith.cmpi sge, %select_n3A_113, %ge3A_127 : vector<16xi32>
      %and3A_129 = arith.andi %ge3A_128, %lt3A_110 : vector<16xi1>
      %all_reduce_population_count3A = tpu.all_reduce %and3A_129 {dim = 0 : i64, kind = #tpu.reduction_kind<sum>} : vector<16xi1> -> vector<16xi32>
      %slice3A_130 = vector.extract_strided_slice %all_reduce_population_count3A {offsets = [0], sizes = [1], strides = [1]} : vector<16xi32> to vector<1xi32>
      %squeeze3A_131 = vector.extract %slice3A_130[0] : i32 from vector<1xi32>
      %gt3A = arith.constant 0 : i32
      %gt3A_132 = arith.cmpi sgt, %squeeze3A_131, %gt3A : i32
      %convert_element_type3A_133 = arith.extui %gt3A_132 : i1 to i32
      %cond3A_134 = arith.constant 0 : i32
      %cond3A_135 = arith.cmpi ne, %convert_element_type3A_133, %cond3A_134 : i32
      scf.if %cond3A_135 {
        "tpu.region"() ({
          %run_scoped3A = tpu.sem_alloc : memref<!tpu.dma_semaphore, #tpu.memory_space<semaphore_mem>>
          tpu.enqueue_dma source(%arg3 : memref<64x128xf32, #tpu.memory_space<hbm>>) target(%arg15 : memref<64x128xf32, #tpu.memory_space<vmem>>) target_semaphore(%run_scoped3A : memref<!tpu.dma_semaphore, #tpu.memory_space<semaphore_mem>>)
          tpu.wait_dma2 semaphore(%run_scoped3A : memref<!tpu.dma_semaphore, #tpu.memory_space<semaphore_mem>>) src(%arg3 : memref<64x128xf32, #tpu.memory_space<hbm>>) dst(%arg15 : memref<64x128xf32, #tpu.memory_space<vmem>>)
          tpu.yield
        }) : () -> ()
      } else {
      }
      %jit3A_136 = arith.constant 128 : i32
      %div3A_137 = arith.divsi %squeeze3A_118, %jit3A_136 : i32
      %sign3A_138 = arith.constant 0 : i32
      %sign3A_139 = arith.cmpi sgt, %squeeze3A_118, %sign3A_138 : i32
      %sign3A_140 = arith.extui %sign3A_139 : i1 to i32
      %sign3A_141 = arith.constant 0 : i32
      %sign3A_142 = arith.cmpi slt, %squeeze3A_118, %sign3A_141 : i32
      %sign3A_143 = arith.extui %sign3A_142 : i1 to i32
      %sign3A_144 = arith.subi %sign3A_140, %sign3A_143 : i32
      %sign3A_145 = arith.constant 0 : i32
      %sign3A_146 = arith.cmpi sgt, %jit3A_136, %sign3A_145 : i32
      %sign3A_147 = arith.extui %sign3A_146 : i1 to i32
      %sign3A_148 = arith.constant 0 : i32
      %sign3A_149 = arith.cmpi slt, %jit3A_136, %sign3A_148 : i32
      %sign3A_150 = arith.extui %sign3A_149 : i1 to i32
      %sign3A_151 = arith.subi %sign3A_147, %sign3A_150 : i32
      %ne3A_152 = arith.cmpi ne, %sign3A_144, %sign3A_151 : i32
      %rem3A_153 = arith.remsi %squeeze3A_118, %jit3A_136 : i32
      %ne3A_154 = arith.constant 0 : i32
      %ne3A_155 = arith.cmpi ne, %rem3A_153, %ne3A_154 : i32
      %and3A_156 = arith.andi %ne3A_152, %ne3A_155 : i1
      %sub3A_157 = arith.constant 1 : i32
      %sub3A_158 = arith.subi %div3A_137, %sub3A_157 : i32
      %select_n3A_159 = arith.select %and3A_156, %sub3A_158, %div3A_137 : i32
      %mul3A_160 = arith.constant 128 : i32
      %mul3A_161 = arith.muli %select_n3A_159, %mul3A_160 : i32
      %min3A_162 = arith.constant 99840 : i32
      %min3A_163 = arith.minsi %mul3A_161, %min3A_162 : i32
      %multiple_of3A_164 = tpu.assume_multiple %min3A_163, 128 : i32
      %jit3A_165 = arith.constant 128 : i32
      %div3A_166 = arith.divsi %squeeze3A_120, %jit3A_165 : i32
      %sign3A_167 = arith.constant 0 : i32
      %sign3A_168 = arith.cmpi sgt, %squeeze3A_120, %sign3A_167 : i32
      %sign3A_169 = arith.extui %sign3A_168 : i1 to i32
      %sign3A_170 = arith.constant 0 : i32
      %sign3A_171 = arith.cmpi slt, %squeeze3A_120, %sign3A_170 : i32
      %sign3A_172 = arith.extui %sign3A_171 : i1 to i32
      %sign3A_173 = arith.subi %sign3A_169, %sign3A_172 : i32
      %sign3A_174 = arith.constant 0 : i32
      %sign3A_175 = arith.cmpi sgt, %jit3A_165, %sign3A_174 : i32
      %sign3A_176 = arith.extui %sign3A_175 : i1 to i32
      %sign3A_177 = arith.constant 0 : i32
      %sign3A_178 = arith.cmpi slt, %jit3A_165, %sign3A_177 : i32
      %sign3A_179 = arith.extui %sign3A_178 : i1 to i32
      %sign3A_180 = arith.subi %sign3A_176, %sign3A_179 : i32
      %ne3A_181 = arith.cmpi ne, %sign3A_173, %sign3A_180 : i32
      %rem3A_182 = arith.remsi %squeeze3A_120, %jit3A_165 : i32
      %ne3A_183 = arith.constant 0 : i32
      %ne3A_184 = arith.cmpi ne, %rem3A_182, %ne3A_183 : i32
      %and3A_185 = arith.andi %ne3A_181, %ne3A_184 : i1
      %sub3A_186 = arith.constant 1 : i32
      %sub3A_187 = arith.subi %div3A_166, %sub3A_186 : i32
      %select_n3A_188 = arith.select %and3A_185, %sub3A_187, %div3A_166 : i32
      %mul3A_189 = arith.constant 128 : i32
      %mul3A_190 = arith.muli %select_n3A_188, %mul3A_189 : i32
      %min3A_191 = arith.constant 99840 : i32
      %min3A_192 = arith.minsi %mul3A_190, %min3A_191 : i32
      %multiple_of3A_193 = tpu.assume_multiple %min3A_192, 128 : i32
      %jit3A_194 = arith.constant 128 : i32
      %div3A_195 = arith.divsi %squeeze3A_122, %jit3A_194 : i32
      %sign3A_196 = arith.constant 0 : i32
      %sign3A_197 = arith.cmpi sgt, %squeeze3A_122, %sign3A_196 : i32
      %sign3A_198 = arith.extui %sign3A_197 : i1 to i32
      %sign3A_199 = arith.constant 0 : i32
      %sign3A_200 = arith.cmpi slt, %squeeze3A_122, %sign3A_199 : i32
      %sign3A_201 = arith.extui %sign3A_200 : i1 to i32
      %sign3A_202 = arith.subi %sign3A_198, %sign3A_201 : i32
      %sign3A_203 = arith.constant 0 : i32
      %sign3A_204 = arith.cmpi sgt, %jit3A_194, %sign3A_203 : i32
      %sign3A_205 = arith.extui %sign3A_204 : i1 to i32
      %sign3A_206 = arith.constant 0 : i32
      %sign3A_207 = arith.cmpi slt, %jit3A_194, %sign3A_206 : i32
      %sign3A_208 = arith.extui %sign3A_207 : i1 to i32
      %sign3A_209 = arith.subi %sign3A_205, %sign3A_208 : i32
      %ne3A_210 = arith.cmpi ne, %sign3A_202, %sign3A_209 : i32
      %rem3A_211 = arith.remsi %squeeze3A_122, %jit3A_194 : i32
      %ne3A_212 = arith.constant 0 : i32
      %ne3A_213 = arith.cmpi ne, %rem3A_211, %ne3A_212 : i32
      %and3A_214 = arith.andi %ne3A_210, %ne3A_213 : i1
      %sub3A_215 = arith.constant 1 : i32
      %sub3A_216 = arith.subi %div3A_195, %sub3A_215 : i32
      %select_n3A_217 = arith.select %and3A_214, %sub3A_216, %div3A_195 : i32
      %mul3A_218 = arith.constant 128 : i32
      %mul3A_219 = arith.muli %select_n3A_217, %mul3A_218 : i32
      %min3A_220 = arith.constant 99840 : i32
      %min3A_221 = arith.minsi %mul3A_219, %min3A_220 : i32
      %multiple_of3A_222 = tpu.assume_multiple %min3A_221, 128 : i32
      %jit3A_223 = arith.constant 128 : i32
      %div3A_224 = arith.divsi %squeeze3A_124, %jit3A_223 : i32
      %sign3A_225 = arith.constant 0 : i32
      %sign3A_226 = arith.cmpi sgt, %squeeze3A_124, %sign3A_225 : i32
      %sign3A_227 = arith.extui %sign3A_226 : i1 to i32
      %sign3A_228 = arith.constant 0 : i32
      %sign3A_229 = arith.cmpi slt, %squeeze3A_124, %sign3A_228 : i32
      %sign3A_230 = arith.extui %sign3A_229 : i1 to i32
      %sign3A_231 = arith.subi %sign3A_227, %sign3A_230 : i32
      %sign3A_232 = arith.constant 0 : i32
      %sign3A_233 = arith.cmpi sgt, %jit3A_223, %sign3A_232 : i32
      %sign3A_234 = arith.extui %sign3A_233 : i1 to i32
      %sign3A_235 = arith.constant 0 : i32
      %sign3A_236 = arith.cmpi slt, %jit3A_223, %sign3A_235 : i32
      %sign3A_237 = arith.extui %sign3A_236 : i1 to i32
      %sign3A_238 = arith.subi %sign3A_234, %sign3A_237 : i32
      %ne3A_239 = arith.cmpi ne, %sign3A_231, %sign3A_238 : i32
      %rem3A_240 = arith.remsi %squeeze3A_124, %jit3A_223 : i32
      %ne3A_241 = arith.constant 0 : i32
      %ne3A_242 = arith.cmpi ne, %rem3A_240, %ne3A_241 : i32
      %and3A_243 = arith.andi %ne3A_239, %ne3A_242 : i1
      %sub3A_244 = arith.constant 1 : i32
      %sub3A_245 = arith.subi %div3A_224, %sub3A_244 : i32
      %select_n3A_246 = arith.select %and3A_243, %sub3A_245, %div3A_224 : i32
      %mul3A_247 = arith.constant 128 : i32
      %mul3A_248 = arith.muli %select_n3A_246, %mul3A_247 : i32
      %min3A_249 = arith.constant 99840 : i32
      %min3A_250 = arith.minsi %mul3A_248, %min3A_249 : i32
      %multiple_of3A_251 = tpu.assume_multiple %min3A_250, 128 : i32
      %jit3A_252 = arith.constant 128 : i32
      %div3A_253 = arith.divsi %squeeze3A_126, %jit3A_252 : i32
      %sign3A_254 = arith.constant 0 : i32
      %sign3A_255 = arith.cmpi sgt, %squeeze3A_126, %sign3A_254 : i32
      %sign3A_256 = arith.extui %sign3A_255 : i1 to i32
      %sign3A_257 = arith.constant 0 : i32
      %sign3A_258 = arith.cmpi slt, %squeeze3A_126, %sign3A_257 : i32
      %sign3A_259 = arith.extui %sign3A_258 : i1 to i32
      %sign3A_260 = arith.subi %sign3A_256, %sign3A_259 : i32
      %sign3A_261 = arith.constant 0 : i32
      %sign3A_262 = arith.cmpi sgt, %jit3A_252, %sign3A_261 : i32
      %sign3A_263 = arith.extui %sign3A_262 : i1 to i32
      %sign3A_264 = arith.constant 0 : i32
      %sign3A_265 = arith.cmpi slt, %jit3A_252, %sign3A_264 : i32
      %sign3A_266 = arith.extui %sign3A_265 : i1 to i32
      %sign3A_267 = arith.subi %sign3A_263, %sign3A_266 : i32
      %ne3A_268 = arith.cmpi ne, %sign3A_260, %sign3A_267 : i32
      %rem3A_269 = arith.remsi %squeeze3A_126, %jit3A_252 : i32
      %ne3A_270 = arith.constant 0 : i32
      %ne3A_271 = arith.cmpi ne, %rem3A_269, %ne3A_270 : i32
      %and3A_272 = arith.andi %ne3A_268, %ne3A_271 : i1
      %sub3A_273 = arith.constant 1 : i32
      %sub3A_274 = arith.subi %div3A_253, %sub3A_273 : i32
      %select_n3A_275 = arith.select %and3A_272, %sub3A_274, %div3A_253 : i32
      %mul3A_276 = arith.constant 128 : i32
      %mul3A_277 = arith.muli %select_n3A_275, %mul3A_276 : i32
      %min3A_278 = arith.constant 99840 : i32
      %min3A_279 = arith.minsi %mul3A_277, %min3A_278 : i32
      %multiple_of3A_280 = tpu.assume_multiple %min3A_279, 128 : i32
      %dma_start3A_281 = arith.constant 0 : i32
      %dma_start3A_282 = tpu.memref_slice %arg2[%dma_start3A_281, %multiple_of3A_164] : memref<64x100000xf32, #tpu.memory_space<hbm>> -> memref<64x128xf32, #tpu.memory_space<hbm>>
      %dma_start3A_283 = arith.constant 0 : i32
      %dma_start3A_284 = tpu.memref_slice %arg2[%dma_start3A_283, %multiple_of3A_164] : memref<64x100000xf32, #tpu.memory_space<hbm>> -> memref<64x128xf32, #tpu.memory_space<hbm>>
      tpu.enqueue_dma source(%dma_start3A_284 : memref<64x128xf32, #tpu.memory_space<hbm>>) target(%arg16 : memref<64x128xf32, #tpu.memory_space<vmem>>) target_semaphore(%arg22 : memref<!tpu.dma_semaphore, #tpu.memory_space<semaphore_mem>>)
      %dma_start3A_285 = arith.constant 0 : i32
      %dma_start3A_286 = tpu.memref_slice %arg2[%dma_start3A_285, %multiple_of3A_193] : memref<64x100000xf32, #tpu.memory_space<hbm>> -> memref<64x128xf32, #tpu.memory_space<hbm>>
      %dma_start3A_287 = arith.constant 0 : i32
      %dma_start3A_288 = tpu.memref_slice %arg2[%dma_start3A_287, %multiple_of3A_193] : memref<64x100000xf32, #tpu.memory_space<hbm>> -> memref<64x128xf32, #tpu.memory_space<hbm>>
      tpu.enqueue_dma source(%dma_start3A_288 : memref<64x128xf32, #tpu.memory_space<hbm>>) target(%arg17 : memref<64x128xf32, #tpu.memory_space<vmem>>) target_semaphore(%arg23 : memref<!tpu.dma_semaphore, #tpu.memory_space<semaphore_mem>>)
      %dma_start3A_289 = arith.constant 0 : i32
      %dma_start3A_290 = tpu.memref_slice %arg2[%dma_start3A_289, %multiple_of3A_222] : memref<64x100000xf32, #tpu.memory_space<hbm>> -> memref<64x128xf32, #tpu.memory_space<hbm>>
      %dma_start3A_291 = arith.constant 0 : i32
      %dma_start3A_292 = tpu.memref_slice %arg2[%dma_start3A_291, %multiple_of3A_222] : memref<64x100000xf32, #tpu.memory_space<hbm>> -> memref<64x128xf32, #tpu.memory_space<hbm>>
      tpu.enqueue_dma source(%dma_start3A_292 : memref<64x128xf32, #tpu.memory_space<hbm>>) target(%arg18 : memref<64x128xf32, #tpu.memory_space<vmem>>) target_semaphore(%arg24 : memref<!tpu.dma_semaphore, #tpu.memory_space<semaphore_mem>>)
      %dma_start3A_293 = arith.constant 0 : i32
      %dma_start3A_294 = tpu.memref_slice %arg2[%dma_start3A_293, %multiple_of3A_251] : memref<64x100000xf32, #tpu.memory_space<hbm>> -> memref<64x128xf32, #tpu.memory_space<hbm>>
      %dma_start3A_295 = arith.constant 0 : i32
      %dma_start3A_296 = tpu.memref_slice %arg2[%dma_start3A_295, %multiple_of3A_251] : memref<64x100000xf32, #tpu.memory_space<hbm>> -> memref<64x128xf32, #tpu.memory_space<hbm>>
      tpu.enqueue_dma source(%dma_start3A_296 : memref<64x128xf32, #tpu.memory_space<hbm>>) target(%arg19 : memref<64x128xf32, #tpu.memory_space<vmem>>) target_semaphore(%arg25 : memref<!tpu.dma_semaphore, #tpu.memory_space<semaphore_mem>>)
      %dma_start3A_297 = arith.constant 0 : i32
      %dma_start3A_298 = tpu.memref_slice %arg2[%dma_start3A_297, %multiple_of3A_280] : memref<64x100000xf32, #tpu.memory_space<hbm>> -> memref<64x128xf32, #tpu.memory_space<hbm>>
      %dma_start3A_299 = arith.constant 0 : i32
      %dma_start3A_300 = tpu.memref_slice %arg2[%dma_start3A_299, %multiple_of3A_280] : memref<64x100000xf32, #tpu.memory_space<hbm>> -> memref<64x128xf32, #tpu.memory_space<hbm>>
      tpu.enqueue_dma source(%dma_start3A_300 : memref<64x128xf32, #tpu.memory_space<hbm>>) target(%arg20 : memref<64x128xf32, #tpu.memory_space<vmem>>) target_semaphore(%arg26 : memref<!tpu.dma_semaphore, #tpu.memory_space<semaphore_mem>>)
      %broadcast_in_dim3A_301 = arith.constant 0.000000e+00 : f32
      %broadcast_in_dim3A_302 = vector.broadcast %broadcast_in_dim3A_301 : f32 to vector<16xf32>
      %broadcast_in_dim3A_303 = arith.constant 0.000000e+00 : f32
      %broadcast_in_dim3A_304 = vector.broadcast %broadcast_in_dim3A_303 : f32 to vector<16xf32>
      %broadcast_in_dim3A_305 = arith.constant 0.000000e+00 : f32
      %broadcast_in_dim3A_306 = vector.broadcast %broadcast_in_dim3A_305 : f32 to vector<16xf32>
      %broadcast_in_dim3A_307 = arith.constant 0.000000e+00 : f32
      %broadcast_in_dim3A_308 = vector.broadcast %broadcast_in_dim3A_307 : f32 to vector<16xf32>
      %dma_wait3A_309 = arith.constant 0 : i32
      %dma_wait3A_310 = tpu.memref_slice %arg2[%dma_wait3A_309, %multiple_of3A_164] : memref<64x100000xf32, #tpu.memory_space<hbm>> -> memref<64x128xf32, #tpu.memory_space<hbm>>
      %dma_wait3A_311 = arith.constant 0 : i32
      %dma_wait3A_312 = tpu.memref_slice %arg2[%dma_wait3A_311, %multiple_of3A_164] : memref<64x100000xf32, #tpu.memory_space<hbm>> -> memref<64x128xf32, #tpu.memory_space<hbm>>
      tpu.wait_dma2 semaphore(%arg22 : memref<!tpu.dma_semaphore, #tpu.memory_space<semaphore_mem>>) src(%dma_wait3A_312 : memref<64x128xf32, #tpu.memory_space<hbm>>) dst(%arg16 : memref<64x128xf32, #tpu.memory_space<vmem>>)
      %lt3A_313 = arith.constant 99968 : i32
      %lt3A_314 = arith.cmpi slt, %squeeze3A_118, %lt3A_313 : i32
      %sub3A_315 = arith.subi %squeeze3A_118, %multiple_of3A_164 : i32
      %min3A_316 = arith.constant 127 : i32
      %min3A_317 = arith.minsi %sub3A_315, %min3A_316 : i32
      %broadcast_in_dim3A_318 = vector.broadcast %min3A_317 : i32 to vector<16xi32>
      %sub3A_319 = arith.constant 99872 : i32
      %sub3A_320 = arith.subi %squeeze3A_118, %sub3A_319 : i32
      %jit3A_321 = arith.constant 0 : i32
      %jit3A_322 = arith.constant 127 : i32
      %max3A_323 = arith.maxsi %jit3A_321, %sub3A_320 : i32
      %min3A_324 = arith.minsi %jit3A_322, %max3A_323 : i32
      %broadcast_in_dim3A_325 = vector.broadcast %min3A_324 : i32 to vector<16xi32>
      %slice3A_326 = vector.extract_strided_slice %select_n3A_116 {offsets = [0], sizes = [1], strides = [1]} : vector<16xf32> to vector<1xf32>
      %squeeze3A_327 = vector.extract %slice3A_326[0] : f32 from vector<1xf32>
      %add3A_328 = arith.constant 0 : i32
      %add3A_329 = vector.broadcast %add3A_328 : i32 to vector<16xi32>
      %add3A_330 = arith.addi %iota3A, %add3A_329 : vector<16xi32>
      %gather3A_331 = tpu.vector_load_idx %arg16[%add3A_330, %broadcast_in_dim3A_318] : memref<64x128xf32, #tpu.memory_space<vmem>>[vector<16xi32>, vector<16xi32>], vector<16xf32>,
      %gather3A_332 = tpu.vector_load_idx %arg15[%add3A_330, %broadcast_in_dim3A_325] : memref<64x128xf32, #tpu.memory_space<vmem>>[vector<16xi32>, vector<16xi32>], vector<16xf32>,
      %select_n3A_333 = arith.select %lt3A_314, %gather3A_331, %gather3A_332 : vector<16xf32>
      %mul3A_334 = vector.broadcast %squeeze3A_327 : f32 to vector<16xf32>
      %mul3A_335 = arith.mulf %select_n3A_333, %mul3A_334 : vector<16xf32>
      %add3A_336 = arith.addf %broadcast_in_dim3A_302, %mul3A_335 : vector<16xf32>
      %add3A_337 = arith.constant 16 : i32
      %add3A_338 = vector.broadcast %add3A_337 : i32 to vector<16xi32>
      %add3A_339 = arith.addi %iota3A, %add3A_338 : vector<16xi32>
      %gather3A_340 = tpu.vector_load_idx %arg16[%add3A_339, %broadcast_in_dim3A_318] : memref<64x128xf32, #tpu.memory_space<vmem>>[vector<16xi32>, vector<16xi32>], vector<16xf32>,
      %gather3A_341 = tpu.vector_load_idx %arg15[%add3A_339, %broadcast_in_dim3A_325] : memref<64x128xf32, #tpu.memory_space<vmem>>[vector<16xi32>, vector<16xi32>], vector<16xf32>,
      %select_n3A_342 = arith.select %lt3A_314, %gather3A_340, %gather3A_341 : vector<16xf32>
      %mul3A_343 = vector.broadcast %squeeze3A_327 : f32 to vector<16xf32>
      %mul3A_344 = arith.mulf %select_n3A_342, %mul3A_343 : vector<16xf32>
      %add3A_345 = arith.addf %broadcast_in_dim3A_304, %mul3A_344 : vector<16xf32>
      %add3A_346 = arith.constant 32 : i32
      %add3A_347 = vector.broadcast %add3A_346 : i32 to vector<16xi32>
      %add3A_348 = arith.addi %iota3A, %add3A_347 : vector<16xi32>
      %gather3A_349 = tpu.vector_load_idx %arg16[%add3A_348, %broadcast_in_dim3A_318] : memref<64x128xf32, #tpu.memory_space<vmem>>[vector<16xi32>, vector<16xi32>], vector<16xf32>,
      %gather3A_350 = tpu.vector_load_idx %arg15[%add3A_348, %broadcast_in_dim3A_325] : memref<64x128xf32, #tpu.memory_space<vmem>>[vector<16xi32>, vector<16xi32>], vector<16xf32>,
      %select_n3A_351 = arith.select %lt3A_314, %gather3A_349, %gather3A_350 : vector<16xf32>
      %mul3A_352 = vector.broadcast %squeeze3A_327 : f32 to vector<16xf32>
      %mul3A_353 = arith.mulf %select_n3A_351, %mul3A_352 : vector<16xf32>
      %add3A_354 = arith.addf %broadcast_in_dim3A_306, %mul3A_353 : vector<16xf32>
      %add3A_355 = arith.constant 48 : i32
      %add3A_356 = vector.broadcast %add3A_355 : i32 to vector<16xi32>
      %add3A_357 = arith.addi %iota3A, %add3A_356 : vector<16xi32>
      %gather3A_358 = tpu.vector_load_idx %arg16[%add3A_357, %broadcast_in_dim3A_318] : memref<64x128xf32, #tpu.memory_space<vmem>>[vector<16xi32>, vector<16xi32>], vector<16xf32>,
      %gather3A_359 = tpu.vector_load_idx %arg15[%add3A_357, %broadcast_in_dim3A_325] : memref<64x128xf32, #tpu.memory_space<vmem>>[vector<16xi32>, vector<16xi32>], vector<16xf32>,
      %select_n3A_360 = arith.select %lt3A_314, %gather3A_358, %gather3A_359 : vector<16xf32>
      %mul3A_361 = vector.broadcast %squeeze3A_327 : f32 to vector<16xf32>
      %mul3A_362 = arith.mulf %select_n3A_360, %mul3A_361 : vector<16xf32>
      %add3A_363 = arith.addf %broadcast_in_dim3A_308, %mul3A_362 : vector<16xf32>
      %dma_wait3A_364 = arith.constant 0 : i32
      %dma_wait3A_365 = tpu.memref_slice %arg2[%dma_wait3A_364, %multiple_of3A_193] : memref<64x100000xf32, #tpu.memory_space<hbm>> -> memref<64x128xf32, #tpu.memory_space<hbm>>
      %dma_wait3A_366 = arith.constant 0 : i32
      %dma_wait3A_367 = tpu.memref_slice %arg2[%dma_wait3A_366, %multiple_of3A_193] : memref<64x100000xf32, #tpu.memory_space<hbm>> -> memref<64x128xf32, #tpu.memory_space<hbm>>
      tpu.wait_dma2 semaphore(%arg23 : memref<!tpu.dma_semaphore, #tpu.memory_space<semaphore_mem>>) src(%dma_wait3A_367 : memref<64x128xf32, #tpu.memory_space<hbm>>) dst(%arg17 : memref<64x128xf32, #tpu.memory_space<vmem>>)
      %lt3A_368 = arith.constant 99968 : i32
      %lt3A_369 = arith.cmpi slt, %squeeze3A_120, %lt3A_368 : i32
      %sub3A_370 = arith.subi %squeeze3A_120, %multiple_of3A_193 : i32
      %min3A_371 = arith.constant 127 : i32
      %min3A_372 = arith.minsi %sub3A_370, %min3A_371 : i32
      %broadcast_in_dim3A_373 = vector.broadcast %min3A_372 : i32 to vector<16xi32>
      %sub3A_374 = arith.constant 99872 : i32
      %sub3A_375 = arith.subi %squeeze3A_120, %sub3A_374 : i32
      %jit3A_376 = arith.constant 0 : i32
      %jit3A_377 = arith.constant 127 : i32
      %max3A_378 = arith.maxsi %jit3A_376, %sub3A_375 : i32
      %min3A_379 = arith.minsi %jit3A_377, %max3A_378 : i32
      %broadcast_in_dim3A_380 = vector.broadcast %min3A_379 : i32 to vector<16xi32>
      %slice3A_381 = vector.extract_strided_slice %select_n3A_116 {offsets = [1], sizes = [1], strides = [1]} : vector<16xf32> to vector<1xf32>
      %squeeze3A_382 = vector.extract %slice3A_381[0] : f32 from vector<1xf32>
      %add3A_383 = arith.constant 0 : i32
      %add3A_384 = vector.broadcast %add3A_383 : i32 to vector<16xi32>
      %add3A_385 = arith.addi %iota3A, %add3A_384 : vector<16xi32>
      %gather3A_386 = tpu.vector_load_idx %arg17[%add3A_385, %broadcast_in_dim3A_373] : memref<64x128xf32, #tpu.memory_space<vmem>>[vector<16xi32>, vector<16xi32>], vector<16xf32>,
      %gather3A_387 = tpu.vector_load_idx %arg15[%add3A_385, %broadcast_in_dim3A_380] : memref<64x128xf32, #tpu.memory_space<vmem>>[vector<16xi32>, vector<16xi32>], vector<16xf32>,
      %select_n3A_388 = arith.select %lt3A_369, %gather3A_386, %gather3A_387 : vector<16xf32>
      %mul3A_389 = vector.broadcast %squeeze3A_382 : f32 to vector<16xf32>
      %mul3A_390 = arith.mulf %select_n3A_388, %mul3A_389 : vector<16xf32>
      %add3A_391 = arith.addf %add3A_336, %mul3A_390 : vector<16xf32>
      %add3A_392 = arith.constant 16 : i32
      %add3A_393 = vector.broadcast %add3A_392 : i32 to vector<16xi32>
      %add3A_394 = arith.addi %iota3A, %add3A_393 : vector<16xi32>
      %gather3A_395 = tpu.vector_load_idx %arg17[%add3A_394, %broadcast_in_dim3A_373] : memref<64x128xf32, #tpu.memory_space<vmem>>[vector<16xi32>, vector<16xi32>], vector<16xf32>,
      %gather3A_396 = tpu.vector_load_idx %arg15[%add3A_394, %broadcast_in_dim3A_380] : memref<64x128xf32, #tpu.memory_space<vmem>>[vector<16xi32>, vector<16xi32>], vector<16xf32>,
      %select_n3A_397 = arith.select %lt3A_369, %gather3A_395, %gather3A_396 : vector<16xf32>
      %mul3A_398 = vector.broadcast %squeeze3A_382 : f32 to vector<16xf32>
      %mul3A_399 = arith.mulf %select_n3A_397, %mul3A_398 : vector<16xf32>
      %add3A_400 = arith.addf %add3A_345, %mul3A_399 : vector<16xf32>
      %add3A_401 = arith.constant 32 : i32
      %add3A_402 = vector.broadcast %add3A_401 : i32 to vector<16xi32>
      %add3A_403 = arith.addi %iota3A, %add3A_402 : vector<16xi32>
      %gather3A_404 = tpu.vector_load_idx %arg17[%add3A_403, %broadcast_in_dim3A_373] : memref<64x128xf32, #tpu.memory_space<vmem>>[vector<16xi32>, vector<16xi32>], vector<16xf32>,
      %gather3A_405 = tpu.vector_load_idx %arg15[%add3A_403, %broadcast_in_dim3A_380] : memref<64x128xf32, #tpu.memory_space<vmem>>[vector<16xi32>, vector<16xi32>], vector<16xf32>,
      %select_n3A_406 = arith.select %lt3A_369, %gather3A_404, %gather3A_405 : vector<16xf32>
      %mul3A_407 = vector.broadcast %squeeze3A_382 : f32 to vector<16xf32>
      %mul3A_408 = arith.mulf %select_n3A_406, %mul3A_407 : vector<16xf32>
      %add3A_409 = arith.addf %add3A_354, %mul3A_408 : vector<16xf32>
      %add3A_410 = arith.constant 48 : i32
      %add3A_411 = vector.broadcast %add3A_410 : i32 to vector<16xi32>
      %add3A_412 = arith.addi %iota3A, %add3A_411 : vector<16xi32>
      %gather3A_413 = tpu.vector_load_idx %arg17[%add3A_412, %broadcast_in_dim3A_373] : memref<64x128xf32, #tpu.memory_space<vmem>>[vector<16xi32>, vector<16xi32>], vector<16xf32>,
      %gather3A_414 = tpu.vector_load_idx %arg15[%add3A_412, %broadcast_in_dim3A_380] : memref<64x128xf32, #tpu.memory_space<vmem>>[vector<16xi32>, vector<16xi32>], vector<16xf32>,
      %select_n3A_415 = arith.select %lt3A_369, %gather3A_413, %gather3A_414 : vector<16xf32>
      %mul3A_416 = vector.broadcast %squeeze3A_382 : f32 to vector<16xf32>
      %mul3A_417 = arith.mulf %select_n3A_415, %mul3A_416 : vector<16xf32>
      %add3A_418 = arith.addf %add3A_363, %mul3A_417 : vector<16xf32>
      %dma_wait3A_419 = arith.constant 0 : i32
      %dma_wait3A_420 = tpu.memref_slice %arg2[%dma_wait3A_419, %multiple_of3A_222] : memref<64x100000xf32, #tpu.memory_space<hbm>> -> memref<64x128xf32, #tpu.memory_space<hbm>>
      %dma_wait3A_421 = arith.constant 0 : i32
      %dma_wait3A_422 = tpu.memref_slice %arg2[%dma_wait3A_421, %multiple_of3A_222] : memref<64x100000xf32, #tpu.memory_space<hbm>> -> memref<64x128xf32, #tpu.memory_space<hbm>>
      tpu.wait_dma2 semaphore(%arg24 : memref<!tpu.dma_semaphore, #tpu.memory_space<semaphore_mem>>) src(%dma_wait3A_422 : memref<64x128xf32, #tpu.memory_space<hbm>>) dst(%arg18 : memref<64x128xf32, #tpu.memory_space<vmem>>)
      %lt3A_423 = arith.constant 99968 : i32
      %lt3A_424 = arith.cmpi slt, %squeeze3A_122, %lt3A_423 : i32
      %sub3A_425 = arith.subi %squeeze3A_122, %multiple_of3A_222 : i32
      %min3A_426 = arith.constant 127 : i32
      %min3A_427 = arith.minsi %sub3A_425, %min3A_426 : i32
      %broadcast_in_dim3A_428 = vector.broadcast %min3A_427 : i32 to vector<16xi32>
      %sub3A_429 = arith.constant 99872 : i32
      %sub3A_430 = arith.subi %squeeze3A_122, %sub3A_429 : i32
      %jit3A_431 = arith.constant 0 : i32
      %jit3A_432 = arith.constant 127 : i32
      %max3A_433 = arith.maxsi %jit3A_431, %sub3A_430 : i32
      %min3A_434 = arith.minsi %jit3A_432, %max3A_433 : i32
      %broadcast_in_dim3A_435 = vector.broadcast %min3A_434 : i32 to vector<16xi32>
      %slice3A_436 = vector.extract_strided_slice %select_n3A_116 {offsets = [2], sizes = [1], strides = [1]} : vector<16xf32> to vector<1xf32>
      %squeeze3A_437 = vector.extract %slice3A_436[0] : f32 from vector<1xf32>
      %add3A_438 = arith.constant 0 : i32
      %add3A_439 = vector.broadcast %add3A_438 : i32 to vector<16xi32>
      %add3A_440 = arith.addi %iota3A, %add3A_439 : vector<16xi32>
      %gather3A_441 = tpu.vector_load_idx %arg18[%add3A_440, %broadcast_in_dim3A_428] : memref<64x128xf32, #tpu.memory_space<vmem>>[vector<16xi32>, vector<16xi32>], vector<16xf32>,
      %gather3A_442 = tpu.vector_load_idx %arg15[%add3A_440, %broadcast_in_dim3A_435] : memref<64x128xf32, #tpu.memory_space<vmem>>[vector<16xi32>, vector<16xi32>], vector<16xf32>,
      %select_n3A_443 = arith.select %lt3A_424, %gather3A_441, %gather3A_442 : vector<16xf32>
      %mul3A_444 = vector.broadcast %squeeze3A_437 : f32 to vector<16xf32>
      %mul3A_445 = arith.mulf %select_n3A_443, %mul3A_444 : vector<16xf32>
      %add3A_446 = arith.addf %add3A_391, %mul3A_445 : vector<16xf32>
      %add3A_447 = arith.constant 16 : i32
      %add3A_448 = vector.broadcast %add3A_447 : i32 to vector<16xi32>
      %add3A_449 = arith.addi %iota3A, %add3A_448 : vector<16xi32>
      %gather3A_450 = tpu.vector_load_idx %arg18[%add3A_449, %broadcast_in_dim3A_428] : memref<64x128xf32, #tpu.memory_space<vmem>>[vector<16xi32>, vector<16xi32>], vector<16xf32>,
      %gather3A_451 = tpu.vector_load_idx %arg15[%add3A_449, %broadcast_in_dim3A_435] : memref<64x128xf32, #tpu.memory_space<vmem>>[vector<16xi32>, vector<16xi32>], vector<16xf32>,
      %select_n3A_452 = arith.select %lt3A_424, %gather3A_450, %gather3A_451 : vector<16xf32>
      %mul3A_453 = vector.broadcast %squeeze3A_437 : f32 to vector<16xf32>
      %mul3A_454 = arith.mulf %select_n3A_452, %mul3A_453 : vector<16xf32>
      %add3A_455 = arith.addf %add3A_400, %mul3A_454 : vector<16xf32>
      %add3A_456 = arith.constant 32 : i32
      %add3A_457 = vector.broadcast %add3A_456 : i32 to vector<16xi32>
      %add3A_458 = arith.addi %iota3A, %add3A_457 : vector<16xi32>
      %gather3A_459 = tpu.vector_load_idx %arg18[%add3A_458, %broadcast_in_dim3A_428] : memref<64x128xf32, #tpu.memory_space<vmem>>[vector<16xi32>, vector<16xi32>], vector<16xf32>,
      %gather3A_460 = tpu.vector_load_idx %arg15[%add3A_458, %broadcast_in_dim3A_435] : memref<64x128xf32, #tpu.memory_space<vmem>>[vector<16xi32>, vector<16xi32>], vector<16xf32>,
      %select_n3A_461 = arith.select %lt3A_424, %gather3A_459, %gather3A_460 : vector<16xf32>
      %mul3A_462 = vector.broadcast %squeeze3A_437 : f32 to vector<16xf32>
      %mul3A_463 = arith.mulf %select_n3A_461, %mul3A_462 : vector<16xf32>
      %add3A_464 = arith.addf %add3A_409, %mul3A_463 : vector<16xf32>
      %add3A_465 = arith.constant 48 : i32
      %add3A_466 = vector.broadcast %add3A_465 : i32 to vector<16xi32>
      %add3A_467 = arith.addi %iota3A, %add3A_466 : vector<16xi32>
      %gather3A_468 = tpu.vector_load_idx %arg18[%add3A_467, %broadcast_in_dim3A_428] : memref<64x128xf32, #tpu.memory_space<vmem>>[vector<16xi32>, vector<16xi32>], vector<16xf32>,
      %gather3A_469 = tpu.vector_load_idx %arg15[%add3A_467, %broadcast_in_dim3A_435] : memref<64x128xf32, #tpu.memory_space<vmem>>[vector<16xi32>, vector<16xi32>], vector<16xf32>,
      %select_n3A_470 = arith.select %lt3A_424, %gather3A_468, %gather3A_469 : vector<16xf32>
      %mul3A_471 = vector.broadcast %squeeze3A_437 : f32 to vector<16xf32>
      %mul3A_472 = arith.mulf %select_n3A_470, %mul3A_471 : vector<16xf32>
      %add3A_473 = arith.addf %add3A_418, %mul3A_472 : vector<16xf32>
      %dma_wait3A_474 = arith.constant 0 : i32
      %dma_wait3A_475 = tpu.memref_slice %arg2[%dma_wait3A_474, %multiple_of3A_251] : memref<64x100000xf32, #tpu.memory_space<hbm>> -> memref<64x128xf32, #tpu.memory_space<hbm>>
      %dma_wait3A_476 = arith.constant 0 : i32
      %dma_wait3A_477 = tpu.memref_slice %arg2[%dma_wait3A_476, %multiple_of3A_251] : memref<64x100000xf32, #tpu.memory_space<hbm>> -> memref<64x128xf32, #tpu.memory_space<hbm>>
      tpu.wait_dma2 semaphore(%arg25 : memref<!tpu.dma_semaphore, #tpu.memory_space<semaphore_mem>>) src(%dma_wait3A_477 : memref<64x128xf32, #tpu.memory_space<hbm>>) dst(%arg19 : memref<64x128xf32, #tpu.memory_space<vmem>>)
      %lt3A_478 = arith.constant 99968 : i32
      %lt3A_479 = arith.cmpi slt, %squeeze3A_124, %lt3A_478 : i32
      %sub3A_480 = arith.subi %squeeze3A_124, %multiple_of3A_251 : i32
      %min3A_481 = arith.constant 127 : i32
      %min3A_482 = arith.minsi %sub3A_480, %min3A_481 : i32
      %broadcast_in_dim3A_483 = vector.broadcast %min3A_482 : i32 to vector<16xi32>
      %sub3A_484 = arith.constant 99872 : i32
      %sub3A_485 = arith.subi %squeeze3A_124, %sub3A_484 : i32
      %jit3A_486 = arith.constant 0 : i32
      %jit3A_487 = arith.constant 127 : i32
      %max3A_488 = arith.maxsi %jit3A_486, %sub3A_485 : i32
      %min3A_489 = arith.minsi %jit3A_487, %max3A_488 : i32
      %broadcast_in_dim3A_490 = vector.broadcast %min3A_489 : i32 to vector<16xi32>
      %slice3A_491 = vector.extract_strided_slice %select_n3A_116 {offsets = [3], sizes = [1], strides = [1]} : vector<16xf32> to vector<1xf32>
      %squeeze3A_492 = vector.extract %slice3A_491[0] : f32 from vector<1xf32>
      %add3A_493 = arith.constant 0 : i32
      %add3A_494 = vector.broadcast %add3A_493 : i32 to vector<16xi32>
      %add3A_495 = arith.addi %iota3A, %add3A_494 : vector<16xi32>
      %gather3A_496 = tpu.vector_load_idx %arg19[%add3A_495, %broadcast_in_dim3A_483] : memref<64x128xf32, #tpu.memory_space<vmem>>[vector<16xi32>, vector<16xi32>], vector<16xf32>,
      %gather3A_497 = tpu.vector_load_idx %arg15[%add3A_495, %broadcast_in_dim3A_490] : memref<64x128xf32, #tpu.memory_space<vmem>>[vector<16xi32>, vector<16xi32>], vector<16xf32>,
      %select_n3A_498 = arith.select %lt3A_479, %gather3A_496, %gather3A_497 : vector<16xf32>
      %mul3A_499 = vector.broadcast %squeeze3A_492 : f32 to vector<16xf32>
      %mul3A_500 = arith.mulf %select_n3A_498, %mul3A_499 : vector<16xf32>
      %add3A_501 = arith.addf %add3A_446, %mul3A_500 : vector<16xf32>
      %add3A_502 = arith.constant 16 : i32
      %add3A_503 = vector.broadcast %add3A_502 : i32 to vector<16xi32>
      %add3A_504 = arith.addi %iota3A, %add3A_503 : vector<16xi32>
      %gather3A_505 = tpu.vector_load_idx %arg19[%add3A_504, %broadcast_in_dim3A_483] : memref<64x128xf32, #tpu.memory_space<vmem>>[vector<16xi32>, vector<16xi32>], vector<16xf32>,
      %gather3A_506 = tpu.vector_load_idx %arg15[%add3A_504, %broadcast_in_dim3A_490] : memref<64x128xf32, #tpu.memory_space<vmem>>[vector<16xi32>, vector<16xi32>], vector<16xf32>,
      %select_n3A_507 = arith.select %lt3A_479, %gather3A_505, %gather3A_506 : vector<16xf32>
      %mul3A_508 = vector.broadcast %squeeze3A_492 : f32 to vector<16xf32>
      %mul3A_509 = arith.mulf %select_n3A_507, %mul3A_508 : vector<16xf32>
      %add3A_510 = arith.addf %add3A_455, %mul3A_509 : vector<16xf32>
      %add3A_511 = arith.constant 32 : i32
      %add3A_512 = vector.broadcast %add3A_511 : i32 to vector<16xi32>
      %add3A_513 = arith.addi %iota3A, %add3A_512 : vector<16xi32>
      %gather3A_514 = tpu.vector_load_idx %arg19[%add3A_513, %broadcast_in_dim3A_483] : memref<64x128xf32, #tpu.memory_space<vmem>>[vector<16xi32>, vector<16xi32>], vector<16xf32>,
      %gather3A_515 = tpu.vector_load_idx %arg15[%add3A_513, %broadcast_in_dim3A_490] : memref<64x128xf32, #tpu.memory_space<vmem>>[vector<16xi32>, vector<16xi32>], vector<16xf32>,
      %select_n3A_516 = arith.select %lt3A_479, %gather3A_514, %gather3A_515 : vector<16xf32>
      %mul3A_517 = vector.broadcast %squeeze3A_492 : f32 to vector<16xf32>
      %mul3A_518 = arith.mulf %select_n3A_516, %mul3A_517 : vector<16xf32>
      %add3A_519 = arith.addf %add3A_464, %mul3A_518 : vector<16xf32>
      %add3A_520 = arith.constant 48 : i32
      %add3A_521 = vector.broadcast %add3A_520 : i32 to vector<16xi32>
      %add3A_522 = arith.addi %iota3A, %add3A_521 : vector<16xi32>
      %gather3A_523 = tpu.vector_load_idx %arg19[%add3A_522, %broadcast_in_dim3A_483] : memref<64x128xf32, #tpu.memory_space<vmem>>[vector<16xi32>, vector<16xi32>], vector<16xf32>,
      %gather3A_524 = tpu.vector_load_idx %arg15[%add3A_522, %broadcast_in_dim3A_490] : memref<64x128xf32, #tpu.memory_space<vmem>>[vector<16xi32>, vector<16xi32>], vector<16xf32>,
      %select_n3A_525 = arith.select %lt3A_479, %gather3A_523, %gather3A_524 : vector<16xf32>
      %mul3A_526 = vector.broadcast %squeeze3A_492 : f32 to vector<16xf32>
      %mul3A_527 = arith.mulf %select_n3A_525, %mul3A_526 : vector<16xf32>
      %add3A_528 = arith.addf %add3A_473, %mul3A_527 : vector<16xf32>
      %dma_wait3A_529 = arith.constant 0 : i32
      %dma_wait3A_530 = tpu.memref_slice %arg2[%dma_wait3A_529, %multiple_of3A_280] : memref<64x100000xf32, #tpu.memory_space<hbm>> -> memref<64x128xf32, #tpu.memory_space<hbm>>
      %dma_wait3A_531 = arith.constant 0 : i32
      %dma_wait3A_532 = tpu.memref_slice %arg2[%dma_wait3A_531, %multiple_of3A_280] : memref<64x100000xf32, #tpu.memory_space<hbm>> -> memref<64x128xf32, #tpu.memory_space<hbm>>
      tpu.wait_dma2 semaphore(%arg26 : memref<!tpu.dma_semaphore, #tpu.memory_space<semaphore_mem>>) src(%dma_wait3A_532 : memref<64x128xf32, #tpu.memory_space<hbm>>) dst(%arg20 : memref<64x128xf32, #tpu.memory_space<vmem>>)
      %lt3A_533 = arith.constant 99968 : i32
      %lt3A_534 = arith.cmpi slt, %squeeze3A_126, %lt3A_533 : i32
      %sub3A_535 = arith.subi %squeeze3A_126, %multiple_of3A_280 : i32
      %min3A_536 = arith.constant 127 : i32
      %min3A_537 = arith.minsi %sub3A_535, %min3A_536 : i32
      %broadcast_in_dim3A_538 = vector.broadcast %min3A_537 : i32 to vector<16xi32>
      %sub3A_539 = arith.constant 99872 : i32
      %sub3A_540 = arith.subi %squeeze3A_126, %sub3A_539 : i32
      %jit3A_541 = arith.constant 0 : i32
      %jit3A_542 = arith.constant 127 : i32
      %max3A_543 = arith.maxsi %jit3A_541, %sub3A_540 : i32
      %min3A_544 = arith.minsi %jit3A_542, %max3A_543 : i32
      %broadcast_in_dim3A_545 = vector.broadcast %min3A_544 : i32 to vector<16xi32>
      %slice3A_546 = vector.extract_strided_slice %select_n3A_116 {offsets = [4], sizes = [1], strides = [1]} : vector<16xf32> to vector<1xf32>
      %squeeze3A_547 = vector.extract %slice3A_546[0] : f32 from vector<1xf32>
      %add3A_548 = arith.constant 0 : i32
      %add3A_549 = vector.broadcast %add3A_548 : i32 to vector<16xi32>
      %add3A_550 = arith.addi %iota3A, %add3A_549 : vector<16xi32>
      %gather3A_551 = tpu.vector_load_idx %arg20[%add3A_550, %broadcast_in_dim3A_538] : memref<64x128xf32, #tpu.memory_space<vmem>>[vector<16xi32>, vector<16xi32>], vector<16xf32>,
      %gather3A_552 = tpu.vector_load_idx %arg15[%add3A_550, %broadcast_in_dim3A_545] : memref<64x128xf32, #tpu.memory_space<vmem>>[vector<16xi32>, vector<16xi32>], vector<16xf32>,
      %select_n3A_553 = arith.select %lt3A_534, %gather3A_551, %gather3A_552 : vector<16xf32>
      %mul3A_554 = vector.broadcast %squeeze3A_547 : f32 to vector<16xf32>
      %mul3A_555 = arith.mulf %select_n3A_553, %mul3A_554 : vector<16xf32>
      %add3A_556 = arith.addf %add3A_501, %mul3A_555 : vector<16xf32>
      %add3A_557 = arith.constant 16 : i32
      %add3A_558 = vector.broadcast %add3A_557 : i32 to vector<16xi32>
      %add3A_559 = arith.addi %iota3A, %add3A_558 : vector<16xi32>
      %gather3A_560 = tpu.vector_load_idx %arg20[%add3A_559, %broadcast_in_dim3A_538] : memref<64x128xf32, #tpu.memory_space<vmem>>[vector<16xi32>, vector<16xi32>], vector<16xf32>,
      %gather3A_561 = tpu.vector_load_idx %arg15[%add3A_559, %broadcast_in_dim3A_545] : memref<64x128xf32, #tpu.memory_space<vmem>>[vector<16xi32>, vector<16xi32>], vector<16xf32>,
      %select_n3A_562 = arith.select %lt3A_534, %gather3A_560, %gather3A_561 : vector<16xf32>
      %mul3A_563 = vector.broadcast %squeeze3A_547 : f32 to vector<16xf32>
      %mul3A_564 = arith.mulf %select_n3A_562, %mul3A_563 : vector<16xf32>
      %add3A_565 = arith.addf %add3A_510, %mul3A_564 : vector<16xf32>
      %add3A_566 = arith.constant 32 : i32
      %add3A_567 = vector.broadcast %add3A_566 : i32 to vector<16xi32>
      %add3A_568 = arith.addi %iota3A, %add3A_567 : vector<16xi32>
      %gather3A_569 = tpu.vector_load_idx %arg20[%add3A_568, %broadcast_in_dim3A_538] : memref<64x128xf32, #tpu.memory_space<vmem>>[vector<16xi32>, vector<16xi32>], vector<16xf32>,
      %gather3A_570 = tpu.vector_load_idx %arg15[%add3A_568, %broadcast_in_dim3A_545] : memref<64x128xf32, #tpu.memory_space<vmem>>[vector<16xi32>, vector<16xi32>], vector<16xf32>,
      %select_n3A_571 = arith.select %lt3A_534, %gather3A_569, %gather3A_570 : vector<16xf32>
      %mul3A_572 = vector.broadcast %squeeze3A_547 : f32 to vector<16xf32>
      %mul3A_573 = arith.mulf %select_n3A_571, %mul3A_572 : vector<16xf32>
      %add3A_574 = arith.addf %add3A_519, %mul3A_573 : vector<16xf32>
      %add3A_575 = arith.constant 48 : i32
      %add3A_576 = vector.broadcast %add3A_575 : i32 to vector<16xi32>
      %add3A_577 = arith.addi %iota3A, %add3A_576 : vector<16xi32>
      %gather3A_578 = tpu.vector_load_idx %arg20[%add3A_577, %broadcast_in_dim3A_538] : memref<64x128xf32, #tpu.memory_space<vmem>>[vector<16xi32>, vector<16xi32>], vector<16xf32>,
      %gather3A_579 = tpu.vector_load_idx %arg15[%add3A_577, %broadcast_in_dim3A_545] : memref<64x128xf32, #tpu.memory_space<vmem>>[vector<16xi32>, vector<16xi32>], vector<16xf32>,
      %select_n3A_580 = arith.select %lt3A_534, %gather3A_578, %gather3A_579 : vector<16xf32>
      %mul3A_581 = vector.broadcast %squeeze3A_547 : f32 to vector<16xf32>
      %mul3A_582 = arith.mulf %select_n3A_580, %mul3A_581 : vector<16xf32>
      %add3A_583 = arith.addf %add3A_528, %mul3A_582 : vector<16xf32>
      %swap3A = arith.constant 0 : index
      %swap3A_584 = tpu.vector_load %arg21[%swap3A] {strides = array<i32>} : memref<64xf32, #tpu.memory_space<vmem>>, vector<16xf32>,
      tpu.vector_store %arg21[%swap3A], %add3A_556 {strides = array<i32>} : memref<64xf32, #tpu.memory_space<vmem>>, vector<16xf32>,
      %swap3A_585 = arith.constant 16 : index
      %swap3A_586 = tpu.vector_load %arg21[%swap3A_585] {strides = array<i32>} : memref<64xf32, #tpu.memory_space<vmem>>, vector<16xf32>,
      tpu.vector_store %arg21[%swap3A_585], %add3A_565 {strides = array<i32>} : memref<64xf32, #tpu.memory_space<vmem>>, vector<16xf32>,
      %swap3A_587 = arith.constant 32 : index
      %swap3A_588 = tpu.vector_load %arg21[%swap3A_587] {strides = array<i32>} : memref<64xf32, #tpu.memory_space<vmem>>, vector<16xf32>,
      tpu.vector_store %arg21[%swap3A_587], %add3A_574 {strides = array<i32>} : memref<64xf32, #tpu.memory_space<vmem>>, vector<16xf32>,
      %swap3A_589 = arith.constant 48 : index
      %swap3A_590 = tpu.vector_load %arg21[%swap3A_589] {strides = array<i32>} : memref<64xf32, #tpu.memory_space<vmem>>, vector<16xf32>,
      tpu.vector_store %arg21[%swap3A_589], %add3A_583 {strides = array<i32>} : memref<64xf32, #tpu.memory_space<vmem>>, vector<16xf32>,
      %mul3A_591 = arith.constant 64 : i32
      %mul3A_592 = arith.muli %add3A, %mul3A_591 : i32
      "tpu.region"() ({
        %run_scoped3A = tpu.sem_alloc : memref<!tpu.dma_semaphore, #tpu.memory_space<semaphore_mem>>
        %dma_start3A_593 = tpu.memref_slice %arg9[%mul3A_592] : memref<1920xf32, #tpu.memory_space<hbm>> -> memref<64xf32, #tpu.memory_space<hbm>>
        %dma_start3A_594 = tpu.memref_slice %arg9[%mul3A_592] : memref<1920xf32, #tpu.memory_space<hbm>> -> memref<64xf32, #tpu.memory_space<hbm>>
        tpu.enqueue_dma source(%arg21 : memref<64xf32, #tpu.memory_space<vmem>>) target(%dma_start3A_594 : memref<64xf32, #tpu.memory_space<hbm>>) target_semaphore(%run_scoped3A : memref<!tpu.dma_semaphore, #tpu.memory_space<semaphore_mem>>)
        %dma_wait3A_595 = tpu.memref_slice %arg9[%mul3A_592] : memref<1920xf32, #tpu.memory_space<hbm>> -> memref<64xf32, #tpu.memory_space<hbm>>
        %dma_wait3A_596 = tpu.memref_slice %arg9[%mul3A_592] : memref<1920xf32, #tpu.memory_space<hbm>> -> memref<64xf32, #tpu.memory_space<hbm>>
        tpu.wait_dma2 semaphore(%run_scoped3A : memref<!tpu.dma_semaphore, #tpu.memory_space<semaphore_mem>>) src(%arg21 : memref<64xf32, #tpu.memory_space<vmem>>) dst(%dma_wait3A_596 : memref<64xf32, #tpu.memory_space<hbm>>)
        tpu.yield
      }) : () -> ()
    } else {
    }
    return
  }
}

module attributes {stable_mosaic.version = 14 : i64} {
  func.func @_tc_gru_body(%arg0: memref<30x64xf32, #tpu.memory_space<vmem>>, %arg1: memref<64x64xf32, #tpu.memory_space<vmem>>, %arg2: memref<64x64xf32, #tpu.memory_space<vmem>>, %arg3: memref<1x64xf32, #tpu.memory_space<vmem>>, %arg4: memref<64x64xf32, #tpu.memory_space<vmem>>, %arg5: memref<64x64xf32, #tpu.memory_space<vmem>>, %arg6: memref<1x64xf32, #tpu.memory_space<vmem>>, %arg7: memref<64x64xf32, #tpu.memory_space<vmem>>, %arg8: memref<64x64xf32, #tpu.memory_space<vmem>>, %arg9: memref<1x64xf32, #tpu.memory_space<vmem>>, %arg10: memref<1x64xf32, #tpu.memory_space<vmem>>) attributes {dimension_semantics = [], scalar_prefetch = 0 : i64, scratch_operands = 0 : i64, tpu.core_type = #tpu.core_type<tc>} {
    %get3A = arith.constant 0 : index
    %get3A_0 = arith.constant 0 : index
    %get3A_1 = vector.load %arg0[%get3A, %get3A_0] : memref<30x64xf32, #tpu.memory_space<vmem>>, vector<30x64xf32>
    %slice3A = vector.extract_strided_slice %get3A_1 {offsets = [0, 0], sizes = [1, 64], strides = [1, 1]} : vector<30x64xf32> to vector<1x64xf32>
    %slice3A_2 = vector.extract_strided_slice %get3A_1 {offsets = [1, 0], sizes = [1, 64], strides = [1, 1]} : vector<30x64xf32> to vector<1x64xf32>
    %add3A = arith.addf %slice3A, %slice3A_2 : vector<1x64xf32>
    %slice3A_3 = vector.extract_strided_slice %get3A_1 {offsets = [2, 0], sizes = [1, 64], strides = [1, 1]} : vector<30x64xf32> to vector<1x64xf32>
    %add3A_4 = arith.addf %add3A, %slice3A_3 : vector<1x64xf32>
    %slice3A_5 = vector.extract_strided_slice %get3A_1 {offsets = [3, 0], sizes = [1, 64], strides = [1, 1]} : vector<30x64xf32> to vector<1x64xf32>
    %add3A_6 = arith.addf %add3A_4, %slice3A_5 : vector<1x64xf32>
    %slice3A_7 = vector.extract_strided_slice %get3A_1 {offsets = [4, 0], sizes = [1, 64], strides = [1, 1]} : vector<30x64xf32> to vector<1x64xf32>
    %add3A_8 = arith.addf %add3A_6, %slice3A_7 : vector<1x64xf32>
    %slice3A_9 = vector.extract_strided_slice %get3A_1 {offsets = [5, 0], sizes = [1, 64], strides = [1, 1]} : vector<30x64xf32> to vector<1x64xf32>
    %add3A_10 = arith.addf %add3A_8, %slice3A_9 : vector<1x64xf32>
    %slice3A_11 = vector.extract_strided_slice %get3A_1 {offsets = [6, 0], sizes = [1, 64], strides = [1, 1]} : vector<30x64xf32> to vector<1x64xf32>
    %add3A_12 = arith.addf %add3A_10, %slice3A_11 : vector<1x64xf32>
    %slice3A_13 = vector.extract_strided_slice %get3A_1 {offsets = [7, 0], sizes = [1, 64], strides = [1, 1]} : vector<30x64xf32> to vector<1x64xf32>
    %add3A_14 = arith.addf %add3A_12, %slice3A_13 : vector<1x64xf32>
    %slice3A_15 = vector.extract_strided_slice %get3A_1 {offsets = [8, 0], sizes = [1, 64], strides = [1, 1]} : vector<30x64xf32> to vector<1x64xf32>
    %add3A_16 = arith.addf %add3A_14, %slice3A_15 : vector<1x64xf32>
    %slice3A_17 = vector.extract_strided_slice %get3A_1 {offsets = [9, 0], sizes = [1, 64], strides = [1, 1]} : vector<30x64xf32> to vector<1x64xf32>
    %add3A_18 = arith.addf %add3A_16, %slice3A_17 : vector<1x64xf32>
    %slice3A_19 = vector.extract_strided_slice %get3A_1 {offsets = [10, 0], sizes = [1, 64], strides = [1, 1]} : vector<30x64xf32> to vector<1x64xf32>
    %slice3A_20 = vector.extract_strided_slice %get3A_1 {offsets = [11, 0], sizes = [1, 64], strides = [1, 1]} : vector<30x64xf32> to vector<1x64xf32>
    %add3A_21 = arith.addf %slice3A_19, %slice3A_20 : vector<1x64xf32>
    %slice3A_22 = vector.extract_strided_slice %get3A_1 {offsets = [12, 0], sizes = [1, 64], strides = [1, 1]} : vector<30x64xf32> to vector<1x64xf32>
    %add3A_23 = arith.addf %add3A_21, %slice3A_22 : vector<1x64xf32>
    %slice3A_24 = vector.extract_strided_slice %get3A_1 {offsets = [13, 0], sizes = [1, 64], strides = [1, 1]} : vector<30x64xf32> to vector<1x64xf32>
    %add3A_25 = arith.addf %add3A_23, %slice3A_24 : vector<1x64xf32>
    %slice3A_26 = vector.extract_strided_slice %get3A_1 {offsets = [14, 0], sizes = [1, 64], strides = [1, 1]} : vector<30x64xf32> to vector<1x64xf32>
    %add3A_27 = arith.addf %add3A_25, %slice3A_26 : vector<1x64xf32>
    %slice3A_28 = vector.extract_strided_slice %get3A_1 {offsets = [15, 0], sizes = [1, 64], strides = [1, 1]} : vector<30x64xf32> to vector<1x64xf32>
    %add3A_29 = arith.addf %add3A_27, %slice3A_28 : vector<1x64xf32>
    %slice3A_30 = vector.extract_strided_slice %get3A_1 {offsets = [16, 0], sizes = [1, 64], strides = [1, 1]} : vector<30x64xf32> to vector<1x64xf32>
    %add3A_31 = arith.addf %add3A_29, %slice3A_30 : vector<1x64xf32>
    %slice3A_32 = vector.extract_strided_slice %get3A_1 {offsets = [17, 0], sizes = [1, 64], strides = [1, 1]} : vector<30x64xf32> to vector<1x64xf32>
    %add3A_33 = arith.addf %add3A_31, %slice3A_32 : vector<1x64xf32>
    %slice3A_34 = vector.extract_strided_slice %get3A_1 {offsets = [18, 0], sizes = [1, 64], strides = [1, 1]} : vector<30x64xf32> to vector<1x64xf32>
    %add3A_35 = arith.addf %add3A_33, %slice3A_34 : vector<1x64xf32>
    %slice3A_36 = vector.extract_strided_slice %get3A_1 {offsets = [19, 0], sizes = [1, 64], strides = [1, 1]} : vector<30x64xf32> to vector<1x64xf32>
    %add3A_37 = arith.addf %add3A_35, %slice3A_36 : vector<1x64xf32>
    %slice3A_38 = vector.extract_strided_slice %get3A_1 {offsets = [20, 0], sizes = [1, 64], strides = [1, 1]} : vector<30x64xf32> to vector<1x64xf32>
    %slice3A_39 = vector.extract_strided_slice %get3A_1 {offsets = [21, 0], sizes = [1, 64], strides = [1, 1]} : vector<30x64xf32> to vector<1x64xf32>
    %add3A_40 = arith.addf %slice3A_38, %slice3A_39 : vector<1x64xf32>
    %slice3A_41 = vector.extract_strided_slice %get3A_1 {offsets = [22, 0], sizes = [1, 64], strides = [1, 1]} : vector<30x64xf32> to vector<1x64xf32>
    %add3A_42 = arith.addf %add3A_40, %slice3A_41 : vector<1x64xf32>
    %slice3A_43 = vector.extract_strided_slice %get3A_1 {offsets = [23, 0], sizes = [1, 64], strides = [1, 1]} : vector<30x64xf32> to vector<1x64xf32>
    %add3A_44 = arith.addf %add3A_42, %slice3A_43 : vector<1x64xf32>
    %slice3A_45 = vector.extract_strided_slice %get3A_1 {offsets = [24, 0], sizes = [1, 64], strides = [1, 1]} : vector<30x64xf32> to vector<1x64xf32>
    %add3A_46 = arith.addf %add3A_44, %slice3A_45 : vector<1x64xf32>
    %slice3A_47 = vector.extract_strided_slice %get3A_1 {offsets = [25, 0], sizes = [1, 64], strides = [1, 1]} : vector<30x64xf32> to vector<1x64xf32>
    %add3A_48 = arith.addf %add3A_46, %slice3A_47 : vector<1x64xf32>
    %slice3A_49 = vector.extract_strided_slice %get3A_1 {offsets = [26, 0], sizes = [1, 64], strides = [1, 1]} : vector<30x64xf32> to vector<1x64xf32>
    %add3A_50 = arith.addf %add3A_48, %slice3A_49 : vector<1x64xf32>
    %slice3A_51 = vector.extract_strided_slice %get3A_1 {offsets = [27, 0], sizes = [1, 64], strides = [1, 1]} : vector<30x64xf32> to vector<1x64xf32>
    %add3A_52 = arith.addf %add3A_50, %slice3A_51 : vector<1x64xf32>
    %slice3A_53 = vector.extract_strided_slice %get3A_1 {offsets = [28, 0], sizes = [1, 64], strides = [1, 1]} : vector<30x64xf32> to vector<1x64xf32>
    %add3A_54 = arith.addf %add3A_52, %slice3A_53 : vector<1x64xf32>
    %slice3A_55 = vector.extract_strided_slice %get3A_1 {offsets = [29, 0], sizes = [1, 64], strides = [1, 1]} : vector<30x64xf32> to vector<1x64xf32>
    %add3A_56 = arith.addf %add3A_54, %slice3A_55 : vector<1x64xf32>
    %concatenate3A = tpu.concatenate %add3A_18, %add3A_37, %add3A_56 in 0 : vector<1x64xf32>, vector<1x64xf32>, vector<1x64xf32> -> vector<3x64xf32>
    %get3A_57 = arith.constant 0 : index
    %get3A_58 = arith.constant 0 : index
    %get3A_59 = vector.load %arg1[%get3A_57, %get3A_58] : memref<64x64xf32, #tpu.memory_space<vmem>>, vector<64x64xf32>
    %dot_general3A = arith.constant dense<0.000000e+00> : vector<3x64xf32>
    %dot_general3A_60 = tpu.matmul %concatenate3A, %get3A_59, %dot_general3A {dimension_numbers = #tpu.dot_dimension_numbers<[1], [1], [0], [0], [0, 0, 1, 0], [], []>, transpose_lhs_hint = false} : vector<3x64xf32>, vector<64x64xf32>, vector<3x64xf32> -> vector<3x64xf32>
    %get3A_61 = arith.constant 0 : index
    %get3A_62 = arith.constant 0 : index
    %get3A_63 = vector.load %arg3[%get3A_61, %get3A_62] : memref<1x64xf32, #tpu.memory_space<vmem>>, vector<1x64xf32>
    %add3A_64 = vector.broadcast %get3A_63 : vector<1x64xf32> to vector<3x64xf32>
    %add3A_65 = arith.addf %dot_general3A_60, %add3A_64 : vector<3x64xf32>
    %mul3A = arith.constant 2.000000e-01 : f32
    %mul3A_66 = vector.broadcast %mul3A : f32 to vector<3x64xf32>
    %mul3A_67 = arith.mulf %mul3A_66, %add3A_65 : vector<3x64xf32>
    %add3A_68 = arith.constant 5.000000e-01 : f32
    %add3A_69 = vector.broadcast %add3A_68 : f32 to vector<3x64xf32>
    %add3A_70 = arith.addf %mul3A_67, %add3A_69 : vector<3x64xf32>
    %jit3A = arith.constant 0.000000e+00 : f32
    %jit3A_71 = arith.constant 1.000000e+00 : f32
    %max3A = vector.broadcast %jit3A : f32 to vector<3x64xf32>
    %max3A_72 = arith.maximumf %max3A, %add3A_70 : vector<3x64xf32>
    %min3A = vector.broadcast %jit3A_71 : f32 to vector<3x64xf32>
    %min3A_73 = arith.minimumf %min3A, %max3A_72 : vector<3x64xf32>
    %get3A_74 = arith.constant 0 : index
    %get3A_75 = arith.constant 0 : index
    %get3A_76 = vector.load %arg7[%get3A_74, %get3A_75] : memref<64x64xf32, #tpu.memory_space<vmem>>, vector<64x64xf32>
    %dot_general3A_77 = arith.constant dense<0.000000e+00> : vector<3x64xf32>
    %dot_general3A_78 = tpu.matmul %concatenate3A, %get3A_76, %dot_general3A_77 {dimension_numbers = #tpu.dot_dimension_numbers<[1], [1], [0], [0], [0, 0, 1, 0], [], []>, transpose_lhs_hint = false} : vector<3x64xf32>, vector<64x64xf32>, vector<3x64xf32> -> vector<3x64xf32>
    %get3A_79 = arith.constant 0 : index
    %get3A_80 = arith.constant 0 : index
    %get3A_81 = vector.load %arg9[%get3A_79, %get3A_80] : memref<1x64xf32, #tpu.memory_space<vmem>>, vector<1x64xf32>
    %add3A_82 = vector.broadcast %get3A_81 : vector<1x64xf32> to vector<3x64xf32>
    %add3A_83 = arith.addf %dot_general3A_78, %add3A_82 : vector<3x64xf32>
    %tanh3A = math.tanh %add3A_83 : vector<3x64xf32>
    %sub3A = arith.constant 1.000000e+00 : f32
    %sub3A_84 = vector.broadcast %sub3A : f32 to vector<3x64xf32>
    %sub3A_85 = arith.subf %sub3A_84, %min3A_73 : vector<3x64xf32>
    %mul3A_86 = arith.mulf %sub3A_85, %tanh3A : vector<3x64xf32>
    %slice3A_87 = vector.extract_strided_slice %mul3A_86 {offsets = [0, 0], sizes = [1, 64], strides = [1, 1]} : vector<3x64xf32> to vector<1x64xf32>
    %slice3A_88 = vector.extract_strided_slice %mul3A_86 {offsets = [1, 0], sizes = [1, 64], strides = [1, 1]} : vector<3x64xf32> to vector<1x64xf32>
    %add3A_89 = arith.addf %slice3A_87, %slice3A_88 : vector<1x64xf32>
    %slice3A_90 = vector.extract_strided_slice %concatenate3A {offsets = [2, 0], sizes = [1, 64], strides = [1, 1]} : vector<3x64xf32> to vector<1x64xf32>
    %get3A_91 = arith.constant 0 : index
    %get3A_92 = arith.constant 0 : index
    %get3A_93 = vector.load %arg1[%get3A_91, %get3A_92] : memref<64x64xf32, #tpu.memory_space<vmem>>, vector<64x64xf32>
    %dot_general3A_94 = arith.constant dense<0.000000e+00> : vector<1x64xf32>
    %dot_general3A_95 = tpu.matmul %slice3A_90, %get3A_93, %dot_general3A_94 {dimension_numbers = #tpu.dot_dimension_numbers<[1], [1], [0], [0], [0, 0, 1, 0], [], []>, transpose_lhs_hint = false} : vector<1x64xf32>, vector<64x64xf32>, vector<1x64xf32> -> vector<1x64xf32>
    %get3A_96 = arith.constant 0 : index
    %get3A_97 = arith.constant 0 : index
    %get3A_98 = vector.load %arg2[%get3A_96, %get3A_97] : memref<64x64xf32, #tpu.memory_space<vmem>>, vector<64x64xf32>
    %dot_general3A_99 = arith.constant dense<0.000000e+00> : vector<1x64xf32>
    %dot_general3A_100 = tpu.matmul %add3A_89, %get3A_98, %dot_general3A_99 {dimension_numbers = #tpu.dot_dimension_numbers<[1], [1], [0], [0], [0, 0, 1, 0], [], []>, transpose_lhs_hint = false} : vector<1x64xf32>, vector<64x64xf32>, vector<1x64xf32> -> vector<1x64xf32>
    %add3A_101 = arith.addf %dot_general3A_95, %dot_general3A_100 : vector<1x64xf32>
    %get3A_102 = arith.constant 0 : index
    %get3A_103 = arith.constant 0 : index
    %get3A_104 = vector.load %arg3[%get3A_102, %get3A_103] : memref<1x64xf32, #tpu.memory_space<vmem>>, vector<1x64xf32>
    %add3A_105 = arith.addf %add3A_101, %get3A_104 : vector<1x64xf32>
    %mul3A_106 = arith.constant 2.000000e-01 : f32
    %mul3A_107 = vector.broadcast %mul3A_106 : f32 to vector<1x64xf32>
    %mul3A_108 = arith.mulf %mul3A_107, %add3A_105 : vector<1x64xf32>
    %add3A_109 = arith.constant 5.000000e-01 : f32
    %add3A_110 = vector.broadcast %add3A_109 : f32 to vector<1x64xf32>
    %add3A_111 = arith.addf %mul3A_108, %add3A_110 : vector<1x64xf32>
    %jit3A_112 = arith.constant 0.000000e+00 : f32
    %jit3A_113 = arith.constant 1.000000e+00 : f32
    %max3A_114 = vector.broadcast %jit3A_112 : f32 to vector<1x64xf32>
    %max3A_115 = arith.maximumf %max3A_114, %add3A_111 : vector<1x64xf32>
    %min3A_116 = vector.broadcast %jit3A_113 : f32 to vector<1x64xf32>
    %min3A_117 = arith.minimumf %min3A_116, %max3A_115 : vector<1x64xf32>
    %get3A_118 = arith.constant 0 : index
    %get3A_119 = arith.constant 0 : index
    %get3A_120 = vector.load %arg4[%get3A_118, %get3A_119] : memref<64x64xf32, #tpu.memory_space<vmem>>, vector<64x64xf32>
    %dot_general3A_121 = arith.constant dense<0.000000e+00> : vector<1x64xf32>
    %dot_general3A_122 = tpu.matmul %slice3A_90, %get3A_120, %dot_general3A_121 {dimension_numbers = #tpu.dot_dimension_numbers<[1], [1], [0], [0], [0, 0, 1, 0], [], []>, transpose_lhs_hint = false} : vector<1x64xf32>, vector<64x64xf32>, vector<1x64xf32> -> vector<1x64xf32>
    %get3A_123 = arith.constant 0 : index
    %get3A_124 = arith.constant 0 : index
    %get3A_125 = vector.load %arg5[%get3A_123, %get3A_124] : memref<64x64xf32, #tpu.memory_space<vmem>>, vector<64x64xf32>
    %dot_general3A_126 = arith.constant dense<0.000000e+00> : vector<1x64xf32>
    %dot_general3A_127 = tpu.matmul %add3A_89, %get3A_125, %dot_general3A_126 {dimension_numbers = #tpu.dot_dimension_numbers<[1], [1], [0], [0], [0, 0, 1, 0], [], []>, transpose_lhs_hint = false} : vector<1x64xf32>, vector<64x64xf32>, vector<1x64xf32> -> vector<1x64xf32>
    %add3A_128 = arith.addf %dot_general3A_122, %dot_general3A_127 : vector<1x64xf32>
    %get3A_129 = arith.constant 0 : index
    %get3A_130 = arith.constant 0 : index
    %get3A_131 = vector.load %arg6[%get3A_129, %get3A_130] : memref<1x64xf32, #tpu.memory_space<vmem>>, vector<1x64xf32>
    %add3A_132 = arith.addf %add3A_128, %get3A_131 : vector<1x64xf32>
    %mul3A_133 = arith.constant 2.000000e-01 : f32
    %mul3A_134 = vector.broadcast %mul3A_133 : f32 to vector<1x64xf32>
    %mul3A_135 = arith.mulf %mul3A_134, %add3A_132 : vector<1x64xf32>
    %add3A_136 = arith.constant 5.000000e-01 : f32
    %add3A_137 = vector.broadcast %add3A_136 : f32 to vector<1x64xf32>
    %add3A_138 = arith.addf %mul3A_135, %add3A_137 : vector<1x64xf32>
    %jit3A_139 = arith.constant 0.000000e+00 : f32
    %jit3A_140 = arith.constant 1.000000e+00 : f32
    %max3A_141 = vector.broadcast %jit3A_139 : f32 to vector<1x64xf32>
    %max3A_142 = arith.maximumf %max3A_141, %add3A_138 : vector<1x64xf32>
    %min3A_143 = vector.broadcast %jit3A_140 : f32 to vector<1x64xf32>
    %min3A_144 = arith.minimumf %min3A_143, %max3A_142 : vector<1x64xf32>
    %get3A_145 = arith.constant 0 : index
    %get3A_146 = arith.constant 0 : index
    %get3A_147 = vector.load %arg7[%get3A_145, %get3A_146] : memref<64x64xf32, #tpu.memory_space<vmem>>, vector<64x64xf32>
    %dot_general3A_148 = arith.constant dense<0.000000e+00> : vector<1x64xf32>
    %dot_general3A_149 = tpu.matmul %slice3A_90, %get3A_147, %dot_general3A_148 {dimension_numbers = #tpu.dot_dimension_numbers<[1], [1], [0], [0], [0, 0, 1, 0], [], []>, transpose_lhs_hint = false} : vector<1x64xf32>, vector<64x64xf32>, vector<1x64xf32> -> vector<1x64xf32>
    %mul3A_150 = arith.mulf %add3A_89, %min3A_144 : vector<1x64xf32>
    %get3A_151 = arith.constant 0 : index
    %get3A_152 = arith.constant 0 : index
    %get3A_153 = vector.load %arg8[%get3A_151, %get3A_152] : memref<64x64xf32, #tpu.memory_space<vmem>>, vector<64x64xf32>
    %dot_general3A_154 = arith.constant dense<0.000000e+00> : vector<1x64xf32>
    %dot_general3A_155 = tpu.matmul %mul3A_150, %get3A_153, %dot_general3A_154 {dimension_numbers = #tpu.dot_dimension_numbers<[1], [1], [0], [0], [0, 0, 1, 0], [], []>, transpose_lhs_hint = false} : vector<1x64xf32>, vector<64x64xf32>, vector<1x64xf32> -> vector<1x64xf32>
    %add3A_156 = arith.addf %dot_general3A_149, %dot_general3A_155 : vector<1x64xf32>
    %get3A_157 = arith.constant 0 : index
    %get3A_158 = arith.constant 0 : index
    %get3A_159 = vector.load %arg9[%get3A_157, %get3A_158] : memref<1x64xf32, #tpu.memory_space<vmem>>, vector<1x64xf32>
    %add3A_160 = arith.addf %add3A_156, %get3A_159 : vector<1x64xf32>
    %tanh3A_161 = math.tanh %add3A_160 : vector<1x64xf32>
    %mul3A_162 = arith.mulf %min3A_117, %add3A_89 : vector<1x64xf32>
    %sub3A_163 = arith.constant 1.000000e+00 : f32
    %sub3A_164 = vector.broadcast %sub3A_163 : f32 to vector<1x64xf32>
    %sub3A_165 = arith.subf %sub3A_164, %min3A_117 : vector<1x64xf32>
    %mul3A_166 = arith.mulf %sub3A_165, %tanh3A_161 : vector<1x64xf32>
    %add3A_167 = arith.addf %mul3A_162, %mul3A_166 : vector<1x64xf32>
    %swap3A = arith.constant 0 : index
    %swap3A_168 = arith.constant 0 : index
    %swap3A_169 = vector.load %arg10[%swap3A, %swap3A_168] : memref<1x64xf32, #tpu.memory_space<vmem>>, vector<1x64xf32>
    tpu.vector_store %arg10[%swap3A, %swap3A_168], %add3A_167 {strides = array<i32>} : memref<1x64xf32, #tpu.memory_space<vmem>>, vector<1x64xf32>,
    return
  }
}

</mosaic_0001>

<sc_bundles>
// kernel: kernel.4.cloned.1.call-start
scs
__scs_entry_jumppad:
0x0: {  	(pc) =	sbr.rel $0x88, $3  }
0x1: {  	(tag) =	ssettag $0x0;
	lr =	simm.s32 $0x1  }
0x2: {  	[smem:$0x3F94] =	sst lr;
	_ =	strace $0xD0000000  }
0x3: {  	_ = 	snop  }
0x4: {  	_ = 	snop  }
0x5: {  	_ = 	snop  }
0x6: {  	_ = 	snop  }
0x7: {  	_ = 	snop  }
__scs_overlays_trampoline_lowered:
0x8: {  	[smem:$0x3FA3] =	sst s0  }
0x9: {  	[smem:$0x3FA4] =	sst s1  }
0xa: {  	[smem:$0x3FA5] =	sst s2  }
0xb: {  	[smem:$0x3FA6] =	sst s3  }
0xc: {  	[smem:$0x3FA7] =	sst s4  }
0xd: {  	[smem:$0x3FA8] =	sst s5  }
0xe: {  	[smem:$0x3FA9] =	sst s6  }
0xf: {  	[smem:$0x3FAA] =	sst s7  }
0x10: {  	[smem:$0x3FAB] =	sst s8  }
0x11: {  	[smem:$0x3FAC] =	sst s9;
	s0 =	simm.s32 @!p0 $0x0  }
0x12: {  	s1 =	sld [smem:$0x3F92];
	s0 =	simm.s32 @p0 $0x1  }
0x13: {  	[smem:$0x3FAD] =	sst s0;
	s0 =	simm.s32 @!p1 $0x0  }
0x14: {  	s2 =	sld [smem:$0x3F91];
	s0 =	simm.s32 @p1 $0x1  }
0x15: {  	[smem:$0x3FAE] =	sst s0;
	s0 =	simm.s32 @!p2 $0x0  }
0x16: {  	s3 =	sld [smem:$0x3FDB];
	s0 =	simm.s32 @p2 $0x1  }
0x17: {  	s4 =	simm.s32 $0x1BF5;
	[smem:$0x3FB0] =	sst s0  }
0x18: {  	s0 =	sld [smem:$0x3F93];
	_ =	swait.ge [sflag:s4], $0x0  }
0x19: {  	s7 =	sld [smem:$0x3F94]  }
0x1a: {  	s8 =	sadd.s32 $0xFFFFE003, lr  }
0x1b: {  	s9 =	sadd.s32 $0xFFFFFEF7, lr;
	s5 =	simm.s32 $0xFFFFFFFF;
	p2 =	slt.u32 s8, $0xFFFFF086  }
0x1c: {  	p1 =	slt.u32 s9, $0xF7A;
	s5 =	simm.s32 @!p2 $0x0  }
0x1d: {  	s5 =	simm.s32 @p1 $0x1;
	p0 =	seq.s32 s7, s2  }
0x1e: {  	s7 =	smul.u32 @!p0 $0xF7A, s2;
	p2 =	seq.s32 @!p0 s5, $0x0  }
0x1f: {  	s9 =	smul.u32 $0xF7A, s1;
	s8 =	simm.s32 @!p0 $0x1BF5;
	p2 =	por !p2, p0  }
0x20: {  	[sflag:s8] =	ssyncset.s32 @!p0 $0xFFFFF086;
	s6 =	sadd.s32 @!p0 s3, s7;
	s7 =	simm.s32 @!p0 $0x108  }
0x21: {  	s3 =	sadd.s32 s3, s9;
	s6 =	sadd.s32 @!p0 $0x88, s6;
	s7 =	simm.s32 @p2 $0x1082  }
0x22: {  	[simem:s7], [sflag:s8] =	dma.local @!p0 [hbm:s6], $0xF7A  }
0x23: {  	s9 =	sor.u32 $0xD0000000, s2;
	s6 =	simm.s32 $0x108;
	_ =	swait.ge @!p0 [sflag:s8], $0x0  }
0x24: {  	s3 =	sadd.s32 $0x88, s3;
	s6 =	simm.s32 @!p1 $0x1082;
	[sflag:s4] =	ssyncset.s32 $0xFFFFF086  }
0x25: {  	[simem:s6], [sflag:s4] =	dma.local [hbm:s3], $0xF7A  }
0x26: {  	[smem:$0x3F94] =	sst s1;
	(tag) =	ssettag s2;
	_ =	strace s9  }
0x27: {  	s1 =	sld [smem:$0x3FA4]  }
0x28: {  	s2 =	sld [smem:$0x3FA5]  }
0x29: {  	s4 =	sld [smem:$0x3FA7]  }
0x2a: {  	p0 =	seq.s32 s5, $0x0;
	s5 =	sld [smem:$0x3FA8]  }
0x2b: {  	s6 =	sld [smem:$0x3FA9]  }
0x2c: {  	s7 =	sld [smem:$0x3FAA]  }
0x2d: {  	s3 =	simm.s32 $0x108;
	s8 =	sld [smem:$0x3FAB]  }
0x2e: {  	s3 =	simm.s32 @!p0 $0x1082;
	s9 =	sld [smem:$0x3FAC]  }
0x2f: {  	lr =	sadd.s32 s0, s3;
	s0 =	sld [smem:$0x3FA3]  }
0x30: {  	s3 =	sld [smem:$0x3FA6]  }
0x31: {  	[smem:$0x3FAF] =	sst s10  }
0x32: {  	s10 =	sld [smem:$0x3FAD];
	_ =	sdelay $0x3  }
0x33: {  	p0 =	seq.s32 s10, $0x1;
	s10 =	sld [smem:$0x3FAF];
	_ =	sdelay $0x3  }
0x34: {  	[smem:$0x3FAF] =	sst s10  }
0x35: {  	s10 =	sld [smem:$0x3FAE];
	_ =	sdelay $0x3  }
0x36: {  	p1 =	seq.s32 s10, $0x1;
	s10 =	sld [smem:$0x3FAF];
	_ =	sdelay $0x3  }
0x37: {  	[smem:$0x3FAF] =	sst s10  }
0x38: {  	s10 =	sld [smem:$0x3FB0]  }
0x39: {  	_ = 	snop;
	(pc) =	sbr.ind lr, $3  }
0x3a: {  	_ = 	snop  }
0x3b: {  	_ = 	snop  }
0x3c: {  	p2 =	seq.s32 s10, $0x1;
	s10 =	sld [smem:$0x3FAF]  }
0x3d: {  	_ =	shalt  }
0x3e: {  	_ =	shalt  }
0x3f: {  	_ =	shalt  }
0x40: {  	_ =	shalt  }
0x41: {  	_ =	shalt  }
0x42: {  	_ =	shalt  }
0x43: {  	_ =	shalt  }
0x44: {  	_ =	shalt  }
0x45: {  	_ =	shalt  }
0x46: {  	_ =	shalt  }
0x47: {  	_ =	shalt  }
0x48: {  	_ =	shalt  }
0x49: {  	_ =	shalt  }
0x4a: {  	_ =	shalt  }
0x4b: {  	_ =	shalt  }
0x4c: {  	_ =	shalt  }
0x4d: {  	_ =	shalt  }
0x4e: {  	_ =	shalt  }
0x4f: {  	_ =	shalt  }
0x50: {  	_ =	shalt  }
0x51: {  	_ =	shalt  }
0x52: {  	_ =	shalt  }
0x53: {  	_ =	shalt  }
0x54: {  	_ =	shalt  }
0x55: {  	_ =	shalt  }
0x56: {  	_ =	shalt  }
0x57: {  	_ =	shalt  }
0x58: {  	_ =	shalt  }
0x59: {  	_ =	shalt  }
0x5a: {  	_ =	shalt  }
0x5b: {  	_ =	shalt  }
0x5c: {  	_ =	shalt  }
0x5d: {  	_ =	shalt  }
0x5e: {  	_ =	shalt  }
0x5f: {  	_ =	shalt  }
0x60: {  	_ =	shalt  }
0x61: {  	_ =	shalt  }
0x62: {  	_ =	shalt  }
0x63: {  	_ =	shalt  }
0x64: {  	_ =	shalt  }
0x65: {  	_ =	shalt  }
0x66: {  	_ =	shalt  }
0x67: {  	_ =	shalt  }
0x68: {  	_ =	shalt  }
0x69: {  	_ =	shalt  }
0x6a: {  	_ =	shalt  }
0x6b: {  	_ =	shalt  }
0x6c: {  	_ =	shalt  }
0x6d: {  	_ =	shalt  }
0x6e: {  	_ =	shalt  }
0x6f: {  	_ =	shalt  }
0x70: {  	_ =	shalt  }
0x71: {  	_ =	shalt  }
0x72: {  	_ =	shalt  }
0x73: {  	_ =	shalt  }
0x74: {  	_ =	shalt  }
0x75: {  	_ =	shalt  }
0x76: {  	_ =	shalt  }
0x77: {  	_ =	shalt  }
0x78: {  	_ =	shalt  }
0x79: {  	_ =	shalt  }
0x7a: {  	_ =	shalt  }
0x7b: {  	_ =	shalt  }
0x7c: {  	_ =	shalt  }
0x7d: {  	_ =	shalt  }
0x7e: {  	_ =	shalt  }
0x7f: {  	_ =	shalt  }
0x80: {  	_ =	shalt  }
0x81: {  	_ =	shalt  }
0x82: {  	_ =	shalt  }
0x83: {  	_ =	shalt  }
0x84: {  	_ =	shalt  }
0x85: {  	_ =	shalt  }
0x86: {  	_ =	shalt  }
0x87: {  	_ =	shalt  }
.Lfunc_end0:
.L_simem_size_0:
called_computation_lowered:
.L_overlay_start_0:
0x88: {  	s2 =	sld [smem:$0x3FD9]  }
0x89: {  	s3 =	sld [smem:$0x3FFE];
	_ =	sdelay $0x1  }
0x8a: {  	s1 =	srdreg.scid  }
0x8b: {  	s0 =	sand.u32 $0x1, s1  }
0x8c: {  	s17 =	sshll.u32 s0, $0xA;
	s2 =	sadd.s32 s3, s2  }
0x8d: {  	s2 =	sadd.s32 s2, s17  }
0x8e: {  	[smem:$0x3FBB] =	sst s2  }
0x8f: {  	_ = 	snop  }
0x90: {  	s2 =	sld [smem:$0x3FC9]  }
0x91: {  	s18 =	sld [smem:$0x3FC8]  }
0x92: {  	s4 =	sld [smem:$0x3FC7]  }
0x93: {  	s5 =	sld [smem:$0x3FC6];
	(tm) =	ssettm $0x1  }
0x94: {  	s6 =	sld [smem:$0x3FFB];
	_ =	sdelay $0x3  }
0x95: {  	_ =	strace s6  }
0x96: {  	s6 =	sld [smem:$0x3FFC];
	_ =	sdelay $0x3  }
0x97: {  	_ =	strace s6  }
0x98: {  	s6 =	sld [smem:$0x3FFD];
	_ =	sdelay $0x3  }
0x99: {  	_ =	strace s6  }
0x9a: {  	_ =	strace $0x8FFFFFFF  }
0x9b: {  	s19 =	sld [smem:$0x3FDB];
	_ =	sdelay $0x1  }
0x9c: {  	s7 =	simm.s32 $_scs_section_size  }
0x9d: {  	s8 =	simm.s32 $_size__tile_overlayer_lowered;
	s9 =	simm.s32 $_tile_overlayer_lowered  }
0x9e: {  	s22 =	simm.s32 $0x1BFF;
	s21 =	sshll.u32 s9, $0x1;
	s6 =	sadd.s32 s7, s19  }
0x9f: {  	s10 =	simm.s32 $0x0;
	s20 =	sshll.u32 s8, $0x1;
	s8 =	sadd.s32 s21, s6  }
0xa0: {  	[timem:s10], [sflag:s22] =	dma.local [hbm:s8], s20  }
0xa1: {  	_ =	swait.ge [sflag:s22], s20  }
0xa2: {  	s7 =	ssub.s32 $0x0, s20;
	[sflag:s22] =	ssyncset.done $0x0  }
0xa3: {  	[sflag:s22] =	ssyncadd.s32 s7;
	_ =	sdelay $0x1  }
0xa4: {  	s23 =	simm.s32 $0x1B8B  }
0xa5: {  	_ =	swait.ge [sflag:s23], $0x1  }
0xa6: {  	[sflag:s23] =	ssyncset.done $0x0  }
0xa7: {  	s25 =	simm.s32 $0x1B8E;
	s24 =	sld [smem:$0x3FFE];
	[sflag:s23] =	ssyncadd.s32 $0xFFFFFFFF  }
0xa8: {  	s26 =	simm.s32 $execute0_lowered;
	[smem:$0x3FD2] =	sst s25  }
0xa9: {  	s8 =	sshll.u32 s26, $0x1;
	_ =	strace $0x80000046;
	[dreg:$0x1] =	wrdreg $0xFFFFFFFF  }
0xaa: {  	s28 =	simm.s32 $_size_execute0_lowered;
	s6 =	sadd.s32 s6, s8;
	[dreg:$0x0] =	wrdreg $0x0  }
0xab: {  	s8 =	sshll.u32 s28, $0x1;
	[dreg:$0x2] =	wrdreg s6  }
0xac: {  	[dreg:$0x3] =	wrdreg s8  }
0xad: {  	[dreg:$0x4] =	wrdreg $0xC0  }
0xae: {  	_ =	task [dreg:s10], $0x5FFFF  }
0xaf: {  	[dreg:$0x1] =	wrdreg $0xFFFFFFFF  }
0xb0: {  	[dreg:$0x0] =	wrdreg $0x60  }
0xb1: {  	[dreg:$0x2] =	wrdreg s5  }
0xb2: {  	[dreg:$0x3] =	wrdreg s24  }
0xb3: {  	[dreg:$0x4] =	wrdreg s18  }
0xb4: {  	[dreg:$0x5] =	wrdreg s2  }
0xb5: {  	[dreg:$0x6] =	wrdreg s4  }
0xb6: {  	[dreg:$0x7] =	wrdreg $0x9  }
0xb7: {  	_ =	task.clear_ibuf [dreg:s10], $0x8FFFF;
	_ =	strace $0x90000046  }
0xb8: {  	s29 =	simm.s32 $0x9;
	_ =	strace $0x80000048  }
0xb9: {  	_ =	swait.ge [sflag:s29], $0x1  }
0xba: {  	[sflag:s29] =	ssyncadd.s32 $0xFFFFFFFF  }
0xbb: {  	_ =	strace $0x90000048  }
0xbc: {  	_ =	sfence  }
0xbd: {  	s30 =	sld [smem:$0x0];
	_ =	sdelay $0x2  }
0xbe: {  	s31 =	sshll.u32 s1, $0xD;
	s1 =	sshrl.u32 s1, $0x2  }
0xbf: {  	s3 =	sand.u32 $0x4000, s31;
	s1 =	sadd.s32 s1, s30  }
0xc0: {  	s0 =	sor.u32 s3, s0;
	s1 =	sshll.u32 s1, $0x11  }
0xc1: {  	s0 =	sor.u32 s1, s0  }
0xc2: {  	s0 =	sadd.s32 $0x8F2B, s0  }
0xc3: {  	[sflag:s0] =	ssyncadd.remote.s32 $0x1  }
0xc4: {  	_ =	sfence.sel $0xFFFF  }
0xc5: {  	[dreg:$0x0] =	wrdreg $0xFFFFFFFF;
	(pc) =	sbr.abs _section_cstart, $3  }
0xc6: {  	[dreg:$0x1] =	wrdreg $0xFFFFFFFF  }
0xc7: {  	_ =	task.clear_ibuf [dreg:s10], $0x2FFFF;
	_ =	strace $0x9FFFFFFF  }
0xc8: {  	(tm) =	ssettm $0x7FFFFFFF  }
0xc9: {  	_ =	shalt  }
tec
execute0_lowered:
.L_overlay_start_1:
0x0: {  	(tag) =	ssettag $0x1  }
0x1: {  	s0 =	rddreg [dreg:$0x0]  }
0x2: {  	s1 =	rddreg [dreg:$0x2]  }
0x3: {  	s29 =	rddreg [dreg:$0x3];
	s31 =	stileid.u32  }
0x4: {  	s30 =	rddreg [dreg:$0x4];
	p0 =	seq.s32 s31, $0xF  }
.Ltmp0:
0x5: {  	[dreg:$0x7] =	wrdreg s1;
	(pc) =	sbr.rel @p0 .LBB2_3-.Ltmp0, $4  }
0x6: {  	[dreg:$0x8] =	wrdreg s29  }
0x7: {  	s3 =	simm.s32 $0x0;
	[dreg:$0xb] =	wrdreg s30  }
0x8: {  	[smem:$0x7FF] =	sst s3  }
0x9: {  	s4 =	rddreg [dreg:$0x1];
	_ =	strace $0x80000047  }
0xa: {  	s5 =	srdreg.scid;
	s1 =	stileid.u32;
	s9 =	sadd.s32 $0x1E00, s4  }
0xb: {  	v0 =	vimm.s32 $0xFC7;
	vm0 =	vcmask $0x300;
	s24 =	sadd.s32 $0x1A00, s4;
	s25 =	sadd.s32 $0x1600, s4;
	s29 =	simm.s32 $0x1C00  }
0xc: {  	s30 =	simm.s32 $0x3800;
	s5 =	sand.u32 $0x1, s5;
	s6 =	sshll.u32 s1, $0x1;
	v0 =	vsel vm0, $0x247, v0;
	vm0 =	vcmask $0x704  }
0xd: {  	s31 =	simm.s32 $0x3C00;
	s11 =	simm.s32 $0x5800;
	s7 =	sor.u32 s5, s6;
	v0 =	vsel vm0, $0x2C7, v0;
	vm0 =	vcmask $0xB08  }
0xe: {  	s10 =	simm.s32 $0x2;
	s12 =	simm.s32 $0x9400;
	s8 =	smul.u32 $0x1A, s7;
	v0 =	vsel vm0, $0x347, v0;
	vm0 =	vcmask $0xF0C  }
0xf: {  	s13 =	simm.s32 $0xB400;
	s14 =	simm.s32 $0xD400;
	s15 =	simm.s32 $0xF400;
	v0 =	vsel vm0, $0x3C7, v0;
	vm0 =	vcmask $0x1310  }
0x10: {  	s16 =	simm.s32 $0x11400;
	[dreg:$0x6] =	wrdreg s9;
	s8 =	sshrl.u32 s8, $0x8;
	v0 =	vsel vm0, $0x647, v0;
	vm0 =	vcmask $0x1714  }
0x11: {  	s17 =	simm.s32 $0x7400;
	[dreg:$0x9] =	wrdreg s24;
	s8 =	smul.u32 $0xA, s8;
	v0 =	vsel vm0, $0x6C7, v0;
	vm0 =	vcmask $0x1B18  }
0x12: {  	s18 =	simm.s32 $0x3;
	s21 =	simm.s32 $0x13400;
	[dreg:$0xa] =	wrdreg s25;
	v0 =	vsel vm0, $0x747, v0;
	vm0 =	vcmask $0x1F1C  }
0x13: {  	s19 =	simm.s32 $0x4;
	[dreg:$0xd] =	wrdreg s29;
	s8 =	ssub.s32 s7, s8;
	v0 =	vsel vm0, $0x7C7, v0;
	vm0 =	vcmask $0x2320  }
0x14: {  	s20 =	simm.s32 $0x5;
	[dreg:$0xe] =	wrdreg s30;
	s8 =	smul.u32 $0x5, s8;
	v0 =	vsel vm0, $0xA47, v0;
	vm0 =	vcmask $0x2724  }
0x15: {  	p1 =	slt.u32 s1, $0x5;
	[dreg:$0xf] =	wrdreg s31;
	s9 =	simm.s32 $0x2000;
	v0 =	vsel vm0, $0xAC7, v0;
	vm0 =	vcmask $0x2B28  }
0x16: {  	v2 =	vlaneseq.u32;
	[dreg:$0x10] =	wrdreg s11;
	s11 =	simm.s32 $0xC3800;
	s8 =	sand.u32 $0xFF, s8;
	v0 =	vsel vm0, $0xB47, v0;
	vm0 =	vcmask $0x2F2C  }
0x17: {  	[dreg:$0x11] =	wrdreg s21;
	s5 =	ssub.s32 $0x2, s5;
	s7 =	sshll.u32 s7, $0x3;
	v1 =	vmov s8;
	v3 =	vsel vm0, $0xBC7, v0;
	vm0 =	vcmask $0x3330  }
0x18: {  	s6 =	sadd.s32 $0xFFFFFFF6, s6;
	s28 =	sshrl.u32 s5, $0x1;
	s26 =	sadd.s32 s7, s4;
	v0 =	vmul.u32 $0x80, v2;
	v2 =	vsel vm0, $0xE47, v3;
	vm0 =	vcmask $0x3734  }
0x19: {  	p0 =	slt.u32 s6, $0xA;
	s6 =	simm.s32 $0x1;
	s4 =	sadd.s32 $0x2200, s26;
	v1 =	vshll.u32 v1, $0x7;
	v2 =	vsel vm0, $0xEC7, v2;
	vm0 =	vcmask $0x3B38  }
0x1a: {  	s5 =	ssub.s32 s5, s28;
	s7 =	simm.s32 $0x1400;
	[dreg:$0xc] =	wrdreg s4;
	v1 =	vadd.s32 v0, v1;
	v3 =	vor.u32 $0x800, v0;
	v4 =	vor.u32 $0x1000, v0  }
0x1b: {  	s4 =	smax.u32 s5, $0x1;
	s5 =	simm.s32 $0x6;
	s8 =	simm.s32 $0x400;
	v5 =	vor.u32 $0x1800, v0;
	v2 =	vsel vm0, $0xF47, v2;
	vm0 =	vmmov $0x1f  }
.LBB2_2:
0x1c: {  	s21 =	rddreg [dreg:$0xb]  }
0x1d: {  	[tilespmem:s3], [sflag:$0x6] =	stream.linear.gather [hbm4b:s21+s3], $0x400, $0x38;
	[tilespmem:$0x13480] =	vst v63  }
0x1e: {  	_ =	swait.ge [sflag:s5], $0x400  }
0x1f: {  	[sflag:s5] =	ssyncset.done $0x0  }
0x20: {  	[sflag:s5] =	ssyncadd.s32 $0xFFFFFC00  }
0x21: {  	v6 =	vld.idx.msk [tilespmem:v2+s3+$0x0], $0x7;
	_ =	sdelay $0x4  }
0x22: {  	(v2sf) =	vpush v6, $0x0  }
0x23: {  	(v2sf) =	vpush v6, $0x1;
	_ =	sdelay $0xd  }
0x24: {  	s21 =	spop (v2sf)  }
0x25: {  	s22 =	spop (v2sf)  }
0x26: {  	s22 =	simm.s32 @!p0 $0x257  }
0x27: {  	s22 =	smov.u32 @p1 s21  }
0x28: {  	s21 =	sand.u32 $0x7F, s22  }
0x29: {  	s23 =	sshra.s32 s22, $0x1F;
	p2 =	slt.s32 s22, $0x1;
	p3 =	sne.s32 s21, $0x0  }
0x2a: {  	s24 =	sshrl.u32 s23, $0x19;
	p2 =	por !p2, !p3  }
0x2b: {  	s23 =	simm.s32 $0x1;
	s21 =	sadd.s32 s24, s22;
	p2 =	por !p2, !p2  }
0x2c: {  	s21 =	sshrl.u32 s21, $0x7;
	s23 =	simm.s32 @!p2 $0x0  }
0x2d: {  	s21 =	ssub.s32 s21, s23  }
0x2e: {  	s21 =	sshll.u32 s21, $0x7  }
0x2f: {  	p2 =	slt.s32 s21, $0x180  }
0x30: {  	s25 =	rddreg [dreg:$0x7];
	s21 =	simm.s32 @!p2 $0x180  }
0x31: {  	s24 =	rddreg [dreg:$0xd];
	s23 =	sadd.s32 s25, s21  }
0x32: {  	[tilespmem:s8], [sflag:$0x1] =	stream.strided.gather [hbm4b:s23+s8], $0x1800, s7, s8, $0x38;
	[tilespmem:$0x13480] =	vst v63  }
0x33: {  	s25 =	rddreg [dreg:$0x8];
	s23 =	sadd.s32 $0xF00, s23  }
0x34: {  	[tilespmem:s24], [sflag:$0x1] =	stream.linear.gather [hbm4b:s23+s3], $0x100, $0x38;
	[tilespmem:$0x13480] =	vst v63  }
0x35: {  	s26 =	sadd.s32 s25, s21  }
0x36: {  	[tilespmem:s9], [sflag:$0x2] =	stream.strided.gather [hbm4b:s26+s8], $0x1800, s7, s8, $0x38;
	[tilespmem:$0x13480] =	vst v63  }
0x37: {  	s28 =	rddreg [dreg:$0xe];
	p2 =	slt.s32 s22, $0x200;
	s23 =	sadd.s32 $0xF00, s26  }
0x38: {  	[tilespmem:s28], [sflag:$0x2] =	stream.linear.gather [hbm4b:s23+s3], $0x100, $0x38;
	[tilespmem:$0x13480] =	vst v63  }
0x39: {  	s25 =	simm.s32 @!p2 $0x3C00;
	s24 =	simm.s32 @!p2 $0x0;
	s23 =	rddreg [dreg:$0x9]  }
0x3a: {  	[tilespmem:s25], [sflag:$0x6] =	stream.linear.gather @!p2 [hbm4b:s23+s24], $0x1900, $0x38;
	[tilespmem:$0x13480] =	vst v63  }
0x3b: {  	s23 =	simm.s32 @!p2 $0x6  }
0x3c: {  	s21 =	ssub.s32 s22, s21;
	_ =	swait.ge @!p2 [sflag:s23], $0x1900  }
0x3d: {  	p3 =	slt.s32 s21, $0x7F;
	[sflag:s23] =	ssyncset.done @!p2 $0x0  }
0x3e: {  	s26 =	simm.s32 @!p2 $0x5800;
	s25 =	rddreg [dreg:$0xa];
	[sflag:s23] =	ssyncadd.s32 @!p2 $0xFFFFE700  }
0x3f: {  	[tilespmem:s26], [sflag:$0x6] =	stream.linear.gather @!p2 [hbm4b:s25+s24], $0x1900, $0x38;
	[tilespmem:$0x13480] =	vst v63  }
0x40: {  	s22 =	sadd.s32 $0xFFFFFE28, s22;
	s21 =	simm.s32 @!p3 $0x7F;
	_ =	swait.ge @!p2 [sflag:s23], $0x1900  }
0x41: {  	p3 =	sgt.s32 s22, $0x0;
	v6 =	vmov s21;
	[sflag:s23] =	ssyncset.done @!p2 $0x0  }
0x42: {  	s22 =	simm.s32 @!p3 $0x0;
	v7 =	vand.u32 $0xFFFFFF80, v6;
	[sflag:s23] =	ssyncadd.s32 @!p2 $0xFFFFE700  }
0x43: {  	s29 =	smin.u32 s22, $0x7F;
	v6 =	vand.u32 $0x7F, v6;
	v7 =	vadd.s32 v1, v7;
	_ =	swait.ge [sflag:s6], $0x1900  }
0x44: {  	v8 =	vmov s29;
	v6 =	vor.u32 v6, v7;
	[sflag:s6] =	ssyncset.done $0x0  }
0x45: {  	v7 =	vor.u32 v1, v8;
	[sflag:s6] =	ssyncadd.s32 $0xFFFFE700  }
0x46: {  	_ =	swait.ge [sflag:s10], $0x1900  }
0x47: {  	[sflag:s10] =	ssyncset.done $0x0  }
0x48: {  	[sflag:s10] =	ssyncadd.s32 $0xFFFFE700  }
0x49: {  	s30 =	rddreg [dreg:$0xf];
	v51 =	vld.idx.msk [tilespmem:v6+s8+$0x0], $0x1f  }
0x4a: {  	v9 =	vld.idx.msk [tilespmem:v7+s30+$0x0], $0x1f;
	_ =	sdelay $0x4  }
0x4b: {  	v8 =	vpsel p2, v51, v9  }
0x4c: {  	(v2sf) =	vpush v8, $0x0  }
0x4d: {  	vm1 =	vgt.s32 v8, $0x1867F;
	(v2sf) =	vpush v8, $0x1  }
0x4e: {  	vm1 =	vmand vm1, vm0;
	(v2sf) =	vpush v8, $0x2  }
0x4f: {  	v52 =	vmpcnt.ones.xlane vm1;
	(v2sf) =	vpush v8, $0x3  }
0x50: {  	(v2sf) =	vpush v8, $0x4  }
0x51: {  	(v2sf) =	vpush v52, $0x0;
	_ =	sdelay $0x9  }
0x52: {  	s25 =	spop (v2sf)  }
0x53: {  	s31 =	rddreg [dreg:$0x10];
	s24 =	spop (v2sf)  }
0x54: {  	s29 =	rddreg [dreg:$0x6];
	s23 =	spop (v2sf)  }
0x55: {  	s1 =	sand.u32 $0x7F, s25;
	s2 =	sshra.s32 s25, $0x1F;
	s22 =	spop (v2sf)  }
0x56: {  	p4 =	slt.s32 s25, $0x1;
	p5 =	sne.s32 s1, $0x0;
	s21 =	spop (v2sf)  }
0x57: {  	s30 =	sshra.s32 s24, $0x1F;
	p4 =	por !p4, !p5;
	s28 =	spop (v2sf)  }
0x58: {  	p5 =	slt.s32 s24, $0x1;
	s1 =	sshrl.u32 s30, $0x19;
	p3 =	slt.s32 s28, $0x1  }
0x59: {  	v6 =	vld.idx.msk [tilespmem:v6+s9+$0x0], $0x1f;
	p4 =	por !p4, !p4;
	s26 =	simm.s32 @!p3 $0x0;
	s28 =	simm.s32 @!p3 $0x7400  }
0x5a: {  	v7 =	vld.idx.msk [tilespmem:v7+s31+$0x0], $0x1f;
	[tilespmem:s28], [sflag:$0x6] =	stream.linear.gather @!p3 [hbm4b:s29+s26], $0x2000, $0x38  }
0x5b: {  	s28 =	sshrl.u32 s2, $0x19;
	s29 =	simm.s32 @!p3 $0x6;
	s2 =	sshra.s32 s23, $0x1F  }
0x5c: {  	s26 =	sadd.s32 s28, s25;
	s28 =	simm.s32 $0x1;
	_ =	swait.ge @!p3 [sflag:s29], $0x2000  }
0x5d: {  	s26 =	sshrl.u32 s26, $0x7;
	s28 =	simm.s32 @!p4 $0x0;
	[sflag:s29] =	ssyncset.done @!p3 $0x0  }
0x5e: {  	s30 =	sshrl.u32 s2, $0x19;
	s26 =	ssub.s32 s26, s28;
	[sflag:s29] =	ssyncadd.s32 @!p3 $0xFFFFE000  }
0x5f: {  	s29 =	sand.u32 $0x7F, s24;
	s28 =	simm.s32 $0x1;
	s31 =	sshll.u32 s26, $0x7  }
0x60: {  	p6 =	sne.s32 s29, $0x0;
	s26 =	sadd.s32 s1, s24;
	s1 =	sand.u32 $0x7F, s23  }
0x61: {  	p3 =	slt.s32 s31, $0x18600;
	p4 =	por !p5, !p6;
	s26 =	sshrl.u32 s26, $0x7  }
0x62: {  	p5 =	slt.s32 s23, $0x1;
	s31 =	simm.s32 @!p3 $0x18600;
	p3 =	por !p4, !p4  }
0x63: {  	p6 =	sne.s32 s1, $0x0;
	s1 =	sand.u32 $0x7F, s22;
	s28 =	simm.s32 @!p3 $0x0  }
0x64: {  	p3 =	por !p5, !p6;
	p5 =	slt.s32 s22, $0x1;
	p6 =	sne.s32 s1, $0x0  }
0x65: {  	s26 =	ssub.s32 s26, s28;
	s28 =	sadd.s32 s30, s23;
	p3 =	por !p3, !p3  }
0x66: {  	s30 =	sshll.u32 s26, $0x7;
	s2 =	sshrl.u32 s28, $0x7;
	s28 =	simm.s32 $0x1  }
0x67: {  	s28 =	simm.s32 @!p3 $0x0;
	p3 =	por !p5, !p6;
	p4 =	slt.s32 s30, $0x18600  }
0x68: {  	p5 =	slt.s32 s21, $0x1;
	s26 =	ssub.s32 s2, s28;
	s2 =	sshra.s32 s22, $0x1F  }
0x69: {  	p3 =	por !p3, !p3;
	s28 =	simm.s32 $0x1;
	s30 =	simm.s32 @!p4 $0x18600  }
0x6a: {  	s29 =	sshll.u32 s26, $0x7;
	s1 =	sshrl.u32 s2, $0x19;
	s28 =	simm.s32 @!p3 $0x0  }
0x6b: {  	s2 =	sshra.s32 s21, $0x1F;
	s26 =	sadd.s32 s1, s22;
	s1 =	sand.u32 $0x7F, s21  }
0x6c: {  	p3 =	slt.s32 s29, $0x18600;
	s26 =	sshrl.u32 s26, $0x7;
	p6 =	sne.s32 s1, $0x0  }
0x6d: {  	s29 =	simm.s32 @!p3 $0x18600;
	s26 =	ssub.s32 s26, s28;
	p3 =	por !p5, !p6  }
0x6e: {  	s28 =	sshll.u32 s26, $0x7;
	s26 =	sshrl.u32 s2, $0x19;
	p3 =	por !p3, !p3  }
0x6f: {  	s2 =	sadd.s32 s0, s31;
	s1 =	sadd.s32 s26, s21;
	s26 =	simm.s32 $0x1  }
0x70: {  	[tilespmem:s12], [sflag:$0x1] =	stream.strided.gather [hbm4b:s2+s8], $0x2000, s11, s8, $0x38;
	[tilespmem:$0x13480] =	vst v63  }
0x71: {  	s2 =	sadd.s32 s0, s30;
	s1 =	sshrl.u32 s1, $0x7;
	s26 =	simm.s32 @!p3 $0x0  }
0x72: {  	[tilespmem:s13], [sflag:$0x2] =	stream.strided.gather [hbm4b:s2+s8], $0x2000, s11, s8, $0x38;
	[tilespmem:$0x13480] =	vst v63  }
0x73: {  	p4 =	slt.s32 s28, $0x18600;
	s1 =	ssub.s32 s1, s26;
	s26 =	sadd.s32 s0, s29  }
0x74: {  	[tilespmem:s14], [sflag:$0x3] =	stream.strided.gather [hbm4b:s26+s8], $0x2000, s11, s8, $0x38;
	[tilespmem:$0x13480] =	vst v63  }
0x75: {  	s28 =	simm.s32 @!p4 $0x18600;
	s26 =	sshll.u32 s1, $0x7  }
0x76: {  	s2 =	sadd.s32 s0, s28;
	s1 =	ssub.s32 s25, s31;
	p3 =	slt.s32 s26, $0x18600  }
0x77: {  	[tilespmem:s15], [sflag:$0x4] =	stream.strided.gather [hbm4b:s2+s8], $0x2000, s11, s8, $0x38;
	[tilespmem:$0x13480] =	vst v63  }
0x78: {  	s26 =	simm.s32 @!p3 $0x18600;
	p3 =	slt.s32 s1, $0x7F  }
0x79: {  	s2 =	sadd.s32 $0xFFFE79E0, s25;
	s1 =	simm.s32 @!p3 $0x7F  }
0x7a: {  	p4 =	sgt.s32 s2, $0x0;
	s31 =	sadd.s32 s0, s26;
	v53 =	vadd.s32 s1, v0  }
0x7b: {  	[tilespmem:s16], [sflag:$0x5] =	stream.strided.gather [hbm4b:s31+s8], $0x2000, s11, s8, $0x38;
	v10 =	vadd.s32 s1, v3;
	[tilespmem:$0x13480] =	vst v63  }
0x7c: {  	s2 =	simm.s32 @!p4 $0x0;
	v12 =	vadd.s32 s1, v4;
	_ =	swait.ge [sflag:s6], $0x2000  }
0x7d: {  	v14 =	vadd.s32 s1, v5;
	s2 =	smin.u32 s2, $0x7F;
	[sflag:s6] =	ssyncset.done $0x0  }
0x7e: {  	v54 =	vor.u32 s2, v0;
	[sflag:s6] =	ssyncadd.s32 $0xFFFFE000  }
0x7f: {  	v11 =	vor.u32 s2, v3;
	v8 =	vld.idx.msk [tilespmem:v53+s12+$0x0], $0xffff  }
0x80: {  	v13 =	vor.u32 s2, v4;
	v10 =	vld.idx.msk [tilespmem:v10+s12+$0x0], $0xffff  }
0x81: {  	s1 =	ssub.s32 s24, s30;
	v15 =	vor.u32 s2, v5;
	v12 =	vld.idx.msk [tilespmem:v12+s12+$0x0], $0xffff  }
0x82: {  	p3 =	slt.s32 s1, $0x7F;
	v14 =	vld.idx.msk [tilespmem:v14+s12+$0x0], $0xffff  }
0x83: {  	s1 =	simm.s32 @!p3 $0x7F;
	v9 =	vld.idx.msk [tilespmem:v54+s17+$0x0], $0xffff  }
0x84: {  	s2 =	sadd.s32 $0xFFFE79E0, s24;
	v16 =	vadd.s32 s1, v0;
	v11 =	vld.idx.msk [tilespmem:v11+s17+$0x0], $0xffff  }
0x85: {  	p4 =	sgt.s32 s2, $0x0;
	v18 =	vadd.s32 s1, v3;
	v13 =	vld.idx.msk [tilespmem:v13+s17+$0x0], $0xffff  }
0x86: {  	v20 =	vadd.s32 s1, v4;
	s2 =	simm.s32 @!p4 $0x0;
	v15 =	vld.idx.msk [tilespmem:v15+s17+$0x0], $0xffff;
	_ =	swait.ge [sflag:s10], $0x2000  }
0x87: {  	v22 =	vadd.s32 s1, v5;
	s2 =	smin.u32 s2, $0x7F;
	[sflag:s10] =	ssyncset.done $0x0  }
0x88: {  	v17 =	vor.u32 s2, v0;
	[sflag:s10] =	ssyncadd.s32 $0xFFFFE000  }
0x89: {  	v19 =	vor.u32 s2, v3;
	v16 =	vld.idx.msk [tilespmem:v16+s13+$0x0], $0xffff  }
0x8a: {  	v21 =	vor.u32 s2, v4;
	v18 =	vld.idx.msk [tilespmem:v18+s13+$0x0], $0xffff  }
0x8b: {  	s1 =	ssub.s32 s23, s29;
	v23 =	vor.u32 s2, v5;
	v20 =	vld.idx.msk [tilespmem:v20+s13+$0x0], $0xffff  }
0x8c: {  	p3 =	slt.s32 s1, $0x7F;
	v22 =	vld.idx.msk [tilespmem:v22+s13+$0x0], $0xffff  }
0x8d: {  	s1 =	simm.s32 @!p3 $0x7F;
	v17 =	vld.idx.msk [tilespmem:v17+s17+$0x0], $0xffff  }
0x8e: {  	s2 =	sadd.s32 $0xFFFE79E0, s23;
	v24 =	vadd.s32 s1, v0;
	v19 =	vld.idx.msk [tilespmem:v19+s17+$0x0], $0xffff  }
0x8f: {  	v26 =	vadd.s32 s1, v3;
	p4 =	sgt.s32 s2, $0x0;
	v21 =	vld.idx.msk [tilespmem:v21+s17+$0x0], $0xffff  }
0x90: {  	v28 =	vadd.s32 s1, v4;
	s2 =	simm.s32 @!p4 $0x0;
	v23 =	vld.idx.msk [tilespmem:v23+s17+$0x0], $0xffff;
	_ =	swait.ge [sflag:s18], $0x2000  }
0x91: {  	v30 =	vadd.s32 s1, v5;
	s2 =	smin.u32 s2, $0x7F;
	[sflag:s18] =	ssyncset.done $0x0  }
0x92: {  	v25 =	vor.u32 s2, v0;
	[sflag:s18] =	ssyncadd.s32 $0xFFFFE000  }
0x93: {  	v27 =	vor.u32 s2, v3;
	v24 =	vld.idx.msk [tilespmem:v24+s14+$0x0], $0xffff  }
0x94: {  	v29 =	vor.u32 s2, v4;
	v26 =	vld.idx.msk [tilespmem:v26+s14+$0x0], $0xffff  }
0x95: {  	s1 =	ssub.s32 s22, s28;
	v31 =	vor.u32 s2, v5;
	v28 =	vld.idx.msk [tilespmem:v28+s14+$0x0], $0xffff  }
0x96: {  	p3 =	slt.s32 s1, $0x7F;
	v30 =	vld.idx.msk [tilespmem:v30+s14+$0x0], $0xffff  }
0x97: {  	s1 =	simm.s32 @!p3 $0x7F;
	v25 =	vld.idx.msk [tilespmem:v25+s17+$0x0], $0xffff  }
0x98: {  	v32 =	vadd.s32 s1, v0;
	s2 =	sadd.s32 $0xFFFE79E0, s22;
	v27 =	vld.idx.msk [tilespmem:v27+s17+$0x0], $0xffff  }
0x99: {  	v34 =	vadd.s32 s1, v3;
	p4 =	sgt.s32 s2, $0x0;
	v29 =	vld.idx.msk [tilespmem:v29+s17+$0x0], $0xffff  }
0x9a: {  	v36 =	vadd.s32 s1, v4;
	s2 =	simm.s32 @!p4 $0x0;
	v31 =	vld.idx.msk [tilespmem:v31+s17+$0x0], $0xffff;
	_ =	swait.ge [sflag:s19], $0x2000  }
0x9b: {  	v6 =	vpsel p2, v6, v7;
	v37 =	vadd.s32 s1, v5;
	s2 =	smin.u32 s2, $0x7F;
	[sflag:s19] =	ssyncset.done $0x0  }
0x9c: {  	v35 =	vbroadcast v6, $0x0;
	v56 =	vbroadcast v6, $0x1;
	p5 =	slt.s32 s25, $0x18680;
	v33 =	vor.u32 s2, v0;
	[sflag:s19] =	ssyncadd.s32 $0xFFFFE000  }
0x9d: {  	v43 =	vbroadcast v6, $0x2;
	v8 =	vpsel p5, v8, v9;
	v7 =	vor.u32 s2, v3;
	v9 =	vld.idx.msk [tilespmem:v32+s15+$0x0], $0xffff  }
0x9e: {  	s25 =	ssub.s32 s21, s26;
	v54 =	vbroadcast v6, $0x3;
	v10 =	vpsel p5, v10, v11;
	v55 =	vor.u32 s2, v4;
	v34 =	vld.idx.msk [tilespmem:v34+s15+$0x0], $0xffff  }
0x9f: {  	s1 =	sadd.s32 $0xFFFE79E0, s21;
	p4 =	slt.s32 s25, $0x7F;
	v12 =	vpsel p5, v12, v13;
	v8 =	vmul.f32 v8, v35;
	v38 =	vor.u32 s2, v5;
	v58 =	vld.idx.msk [tilespmem:v36+s15+$0x0], $0xffff  }
0xa0: {  	v59 =	vpsel p5, v14, v15;
	s25 =	simm.s32 @!p4 $0x7F;
	p4 =	sgt.s32 s1, $0x0;
	v10 =	vmul.f32 v10, v35;
	v12 =	vmul.f32 v12, v35;
	v61 =	vld.idx.msk [tilespmem:v37+s15+$0x0], $0xffff  }
0xa1: {  	v13 =	vmul.f32 v59, v35;
	v39 =	vadd.s32 s25, v0;
	v40 =	vadd.s32 s25, v3;
	s1 =	simm.s32 @!p4 $0x0;
	v33 =	vld.idx.msk [tilespmem:v33+s17+$0x0], $0xffff  }
0xa2: {  	v41 =	vadd.s32 s25, v4;
	v42 =	vadd.s32 s25, v5;
	v8 =	vadd.f32 $0.0e+00, v8;
	s1 =	smin.u32 s1, $0x7F;
	v7 =	vld.idx.msk [tilespmem:v7+s17+$0x0], $0xffff  }
0xa3: {  	p6 =	slt.s32 s24, $0x18680;
	v10 =	vadd.f32 $0.0e+00, v10;
	v12 =	vadd.f32 $0.0e+00, v12;
	v35 =	vor.u32 s1, v0;
	v60 =	vld.idx.msk [tilespmem:v55+s17+$0x0], $0xffff  }
0xa4: {  	v13 =	vadd.f32 $0.0e+00, v13;
	v16 =	vpsel p6, v16, v17;
	v62 =	vpsel p6, v18, v19;
	v32 =	vld.idx.msk [tilespmem:v38+s17+$0x0], $0xffff;
	_ =	swait.ge [sflag:s20], $0x2000  }
0xa5: {  	v63 =	vpsel p6, v20, v21;
	v46 =	vor.u32 s1, v4;
	v57 =	vmul.f32 v16, v56;
	[sflag:s20] =	ssyncset.done $0x0  }
0xa6: {  	v49 =	vor.u32 s1, v5;
	v15 =	vmul.f32 v62, v56;
	v18 =	vmul.f32 v63, v56;
	[sflag:s20] =	ssyncadd.s32 $0xFFFFE000  }
0xa7: {  	v36 =	vpsel p6, v22, v23;
	v37 =	vor.u32 s1, v3;
	v8 =	vadd.f32 v57, v8;
	v45 =	vld.idx.msk [tilespmem:v39+s16+$0x0], $0xffff  }
0xa8: {  	p4 =	slt.s32 s23, $0x18680;
	v17 =	vmul.f32 v36, v56;
	v10 =	vadd.f32 v15, v10;
	v12 =	vadd.f32 v18, v12;
	v20 =	vld.idx.msk [tilespmem:v35+s17+$0x0], $0xffff  }
0xa9: {  	v38 =	vpsel p4, v24, v25;
	v44 =	vpsel p4, v26, v27;
	v52 =	vpsel p4, v28, v29;
	v50 =	vld.idx.msk [tilespmem:v40+s16+$0x0], $0xffff  }
0xaa: {  	v53 =	vpsel p4, v30, v31;
	v47 =	vmul.f32 v38, v43;
	v48 =	vmul.f32 v44, v43;
	v55 =	vld.idx.msk [tilespmem:v41+s16+$0x0], $0xffff  }
0xab: {  	v13 =	vadd.f32 v17, v13;
	v18 =	vmul.f32 v52, v43;
	v21 =	vmul.f32 v53, v43;
	v56 =	vld.idx.msk [tilespmem:v46+s17+$0x0], $0xffff  }
0xac: {  	v6 =	vbroadcast v6, $0x4;
	p5 =	slt.s32 s22, $0x18680;
	v57 =	vld.idx.msk [tilespmem:v42+s16+$0x0], $0xffff;
	v8 =	vadd.f32 v47, v8;
	v10 =	vadd.f32 v48, v10  }
0xad: {  	v51 =	vld.idx.msk [tilespmem:v37+s17+$0x0], $0xffff;
	v12 =	vadd.f32 v18, v12;
	v13 =	vadd.f32 v21, v13;
	v9 =	vpsel p5, v9, v33  }
0xae: {  	v7 =	vpsel p5, v34, v7;
	v14 =	vpsel p5, v58, v60;
	v58 =	vld.idx.msk [tilespmem:v49+s17+$0x0], $0xffff;
	v9 =	vmul.f32 v9, v54  }
0xaf: {  	p6 =	slt.s32 s21, $0x18680;
	v11 =	vpsel p5, v61, v32;
	v7 =	vmul.f32 v7, v54;
	v14 =	vmul.f32 v14, v54  }
0xb0: {  	v11 =	vmul.f32 v11, v54;
	v8 =	vadd.f32 v9, v8;
	v60 =	vpsel p6, v45, v20  }
0xb1: {  	v7 =	vadd.f32 v7, v10;
	v62 =	vpsel p6, v55, v56;
	v10 =	vmul.f32 v60, v6  }
0xb2: {  	v59 =	vadd.f32 v14, v12;
	v61 =	vpsel p6, v50, v51;
	v14 =	vmul.f32 v62, v6  }
0xb3: {  	v12 =	vmul.f32 v61, v6;
	v63 =	vpsel p6, v57, v58;
	v8 =	vadd.f32 v10, v8  }
0xb4: {  	v11 =	vadd.f32 v11, v13;
	v6 =	vmul.f32 v63, v6;
	v9 =	vadd.f32 v14, v59  }
0xb5: {  	v7 =	vadd.f32 v12, v7;
	[tilespmem:$0x13400] =	vst v8  }
0xb6: {  	s4 =	sadd.s32 $0xFFFFFFFF, s4;
	v6 =	vadd.f32 v6, v11;
	[tilespmem:$0x13420] =	vst v9  }
0xb7: {  	p2 =	sne.s32 s4, $0x0;
	s30 =	rddreg [dreg:$0xc];
	[tilespmem:$0x13410] =	vst v7  }
.Ltmp1:
0xb8: {  	s31 =	rddreg [dreg:$0x11];
	[tilespmem:$0x13430] =	vst v6;
	(pc) =	sbr.rel @p2 .LBB2_2-.Ltmp1, $4  }
0xb9: {  	[hbm4b:s30+s3] =	stream.linear.scatter [tilespmem:s31], [sflag:$0x6], $0x40, $0x38;
	[tilespmem:$0x13480] =	vst v63  }
0xba: {  	_ =	swait.ge [sflag:s5], $0x40  }
0xbb: {  	[sflag:s5] =	ssyncset.done $0x0  }
0xbc: {  	[sflag:s5] =	ssyncadd.s32 $0xFFFFFFC0  }
.LBB2_3:
0xbd: {  	_ =	sfence.sel $0x180000  }
0xbe: {  	[bflag:$0x0] =	sbarrier.arrive $0xFFFF  }
0xbf: {  	_ =	strace $0x90000047  }
0xc0: {  	s0 =	stileid.u32;
	[bflag:$0x2] =	sbarrier.arrive $0xFFFF  }
0xc1: {  	p0 =	sne.s32 s0, $0x0;
	s0 =	rddreg [dreg:$0x5]  }
0xc2: {  	s0 =	sadd.s32 @!p0 $0x100000, s0  }
0xc3: {  	[sflag:s0] =	ssyncadd.tile.s32 @!p0 $0x1;
	_ =	shalt  }
.Lfunc_end2:
_tile_overlayer_lowered:
.L_overlay_start_2:
0xc4: {  	(tag) =	ssettag $0x2  }
0xc5: {  	s0 =	rddreg [dreg:$0x0];
	s2 =	stileid.u32  }
0xc6: {  	s1 =	rddreg [dreg:$0x1];
	p0 =	sne.s32 s2, $0x0  }
0xc7: {  	s3 =	rddreg [dreg:$0x2];
	[bflag:$0x3] =	sbarrier.arrive $0xFFFF;
	s2 =	simm.s32 @!p0 $0x1C06  }
0xc8: {  	[timem:s3], [sflag:s2] =	dma.local @!p0 [hbm:s0], s1  }
0xc9: {  	s0 =	simm.s32 @!p0 $0x6  }
0xca: {  	_ =	swait.ge @!p0 [sflag:s0], s1  }
0xcb: {  	s1 =	ssub.s32 @!p0 $0x0, s1;
	[sflag:s0] =	ssyncset.done @!p0 $0x0  }
0xcc: {  	[sflag:s0] =	ssyncadd.s32 @!p0 s1  }
0xcd: {  	[bflag:$0x3] =	sbarrier.arrive $0xFFFF  }
0xce: {  	_ =	shalt  }

</sc_bundles>
